<compile_context>
chip_gen: v7x
topology: tpu7x:2x2x1
jax: 0.10.2.dev20260603
libtpu: 0.0.44.dev20260713+nightly
codegen_flags: <defaults>
</compile_context>

<pallas_src>
import functools

import jax
import jax.numpy as jnp
from jax import lax
from jax.experimental import pallas as pl
from jax.experimental.pallas import tpu as pltpu
from jax.experimental.pallas import tpu_sc as plsc

NC, NS, L = 2, 16, 16
NW = NC * NS
B, SEQ, D = 1024, 200, 128
BPW = B // NW
CHA, CHB = 104, 96
ND = D // L

_mesh = plsc.VectorSubcoreMesh(
    core_axis_name="c", subcore_axis_name="s", num_cores=NC, num_subcores=NS
)


@functools.partial(
    pl.kernel,
    out_type=jax.ShapeDtypeStruct((B, D), jnp.float32),
    mesh=_mesh,
    scratch_types=[
        pltpu.VMEM((BPW * SEQ,), jnp.int32),
        pltpu.VMEM((CHA, D), jnp.float32),
        pltpu.VMEM((CHB, D), jnp.float32),
        pltpu.VMEM((CHA, D), jnp.float32),
        pltpu.VMEM((CHB, D), jnp.float32),
        pltpu.VMEM((BPW, D), jnp.float32),
        pltpu.SemaphoreType.DMA,
        pltpu.SemaphoreType.DMA,
        pltpu.SemaphoreType.DMA,
        pltpu.SemaphoreType.DMA,
    ],
)
def _encode(x_hbm, table_hbm, out_hbm, idx_v, ra0, rb0, ra1, rb1, out_v,
            sa0, sb0, sa1, sb1):
    wid = lax.axis_index("s") * NC + lax.axis_index("c")

    pltpu.sync_copy(x_hbm.at[pl.ds(wid * BPW * SEQ, BPW * SEQ)], idx_v)

    zero = tuple(jnp.zeros((L,), jnp.float32) for _ in range(ND))
    ras, rbs = (ra0, ra1), (rb0, rb1)
    sas, sbs = (sa0, sa1), (sb0, sb1)

    def ia(s):
        return idx_v.at[pl.ds(pl.multiple_of(s * SEQ, 8), CHA)]

    def ib(s):
        return idx_v.at[pl.ds(pl.multiple_of(s * SEQ + CHA, 8), CHB)]

    def fire_a(s, h):
        pltpu.async_copy(table_hbm.at[ia(s)], ras[h], sas[h])

    def fire_b(s, h):
        pltpu.async_copy(table_hbm.at[ib(s)], rbs[h], sbs[h])

    def wait_a(s, h):
        pltpu.make_async_copy(table_hbm.at[ia(s)], ras[h], sas[h]).wait()

    def wait_b(s, h):
        pltpu.make_async_copy(table_hbm.at[ib(s)], rbs[h], sbs[h]).wait()

    def reduce_chunk(buf, n, acc):
        def row_body(r, a):
            return tuple(a[j] + buf[r, pl.ds(j * L, L)] for j in range(ND))

        return lax.fori_loop(0, n, row_body, acc)

    fire_a(0, 0)
    fire_b(0, 0)
    fire_a(1, 1)
    fire_b(1, 1)

    def pair_body(i, carry):
        for h in range(2):
            s = 2 * i + h
            wait_a(s, h)
            acc = reduce_chunk(ras[h], CHA, zero)

            @pl.when(s + 2 < BPW)
            def _():
                fire_a(s + 2, h)

            wait_b(s, h)
            acc = reduce_chunk(rbs[h], CHB, acc)

            @pl.when(s + 2 < BPW)
            def _():
                fire_b(s + 2, h)

            for j in range(ND):
                out_v[s, pl.ds(j * L, L)] = acc[j]
        return carry

    lax.fori_loop(0, BPW // 2, pair_body, 0)
    pltpu.sync_copy(out_v, out_hbm.at[pl.ds(wid * BPW, BPW)])


def kernel(x, table):
    return _encode(x.astype(jnp.int32).reshape(-1), table)

# --- scband reference (transcript-rebuilt; emitter-appended) ---
"""Pipeline reference for scband-encoder-62526133895394 (READ-ONLY COPY).

The authoritative reference and input builder live on the scoring server;
editing this copy changes nothing except your own understanding.
"""

import jax, jax.numpy as jnp
import numpy as np

INPUT_FEATURES = 50176  # 224 * 224
DIMENSIONS = 128
BATCH = 1024
SEQ = 200


def setup_inputs(seed: int = 0) -> dict:
    key = jax.random.key(seed)
    k1, k2 = jax.random.split(key)
    # indices into the random hypervector table
    x = jax.random.randint(k1, (BATCH, SEQ), 0, INPUT_FEATURES)
    # torchhd.embeddings.Random: table of random bipolar (+1/-1) hypervectors
    table = jnp.sign(jax.random.normal(k2, (INPUT_FEATURES, DIMENSIONS), dtype=jnp.float32))
    table = jnp.where(table == 0, 1.0, table)
    return {"x": x, "table": table}


def reference(x, table):
    # embedding lookup: [B, L] -> [B, L, D]
    hypervectors = jnp.take(table, x, axis=0)
    # bundle (sum) along the sequence/feature axis: [B, D]
    hypervector = jnp.sum(hypervectors, axis=1)
    return hypervector

if __name__ == "__main__":
    import jax
    _d = setup_inputs()
    print(jax.jit(kernel)(*tuple(_d.values())))

</pallas_src>

<mosaic_0001>
#map = affine_map<(d0, d1) -> (0)>
#map1 = affine_map<(d0, d1) -> (0, 0)>
module attributes {stable_mosaic.version = 14 : i64} {
  func.func @_encode(%arg0: i32, %arg1: i32, %arg2: memref<204800xi32, #tpu.memory_space<hbm>>, %arg3: memref<50176x128xf32, #tpu.memory_space<hbm>>, %arg4: memref<1024x128xf32, #tpu.memory_space<hbm>>, %arg5: memref<6400xi32, #tpu.memory_space<vmem>>, %arg6: memref<104x128xf32, #tpu.memory_space<vmem>>, %arg7: memref<96x128xf32, #tpu.memory_space<vmem>>, %arg8: memref<104x128xf32, #tpu.memory_space<vmem>>, %arg9: memref<96x128xf32, #tpu.memory_space<vmem>>, %arg10: memref<32x128xf32, #tpu.memory_space<vmem>>, %arg11: memref<!tpu.dma_semaphore, #tpu.memory_space<semaphore_mem>>, %arg12: memref<!tpu.dma_semaphore, #tpu.memory_space<semaphore_mem>>, %arg13: memref<!tpu.dma_semaphore, #tpu.memory_space<semaphore_mem>>, %arg14: memref<!tpu.dma_semaphore, #tpu.memory_space<semaphore_mem>>) attributes {dimension_semantics = [#tpu.dimension_semantics<core_parallel>, #tpu.dimension_semantics<subcore_parallel>], iteration_bounds = array<i64: 2, 16>, scalar_prefetch = 0 : i64, scratch_operands = 10 : i64, tpu.core_type = #tpu.core_type<sc_vector_subcore>, window_params = [{transform_indices = #map}, {transform_indices = #map1}, {transform_indices = #map1}]} {
    %mul3A = arith.constant 2 : i32
    %mul3A_0 = arith.muli %arg1, %mul3A : i32
    %add3A = arith.addi %mul3A_0, %arg0 : i32
    %mul3A_1 = arith.constant 32 : i32
    %mul3A_2 = arith.muli %add3A, %mul3A_1 : i32
    %mul3A_3 = arith.constant 200 : i32
    %mul3A_4 = arith.muli %mul3A_2, %mul3A_3 : i32
    "tpu.region"() ({
      %run_scoped3A = tpu.sem_alloc : memref<!tpu.dma_semaphore, #tpu.memory_space<semaphore_mem>>
      %dma_start3A_49 = tpu.memref_slice %arg2[%mul3A_4] : memref<204800xi32, #tpu.memory_space<hbm>> -> memref<6400xi32, #tpu.memory_space<hbm>>
      %dma_start3A_50 = tpu.memref_slice %arg2[%mul3A_4] : memref<204800xi32, #tpu.memory_space<hbm>> -> memref<6400xi32, #tpu.memory_space<hbm>>
      tpu.enqueue_dma source(%dma_start3A_50 : memref<6400xi32, #tpu.memory_space<hbm>>) target(%arg5 : memref<6400xi32, #tpu.memory_space<vmem>>) target_semaphore(%run_scoped3A : memref<!tpu.dma_semaphore, #tpu.memory_space<semaphore_mem>>)
      %dma_wait3A = tpu.memref_slice %arg2[%mul3A_4] : memref<204800xi32, #tpu.memory_space<hbm>> -> memref<6400xi32, #tpu.memory_space<hbm>>
      %dma_wait3A_51 = tpu.memref_slice %arg2[%mul3A_4] : memref<204800xi32, #tpu.memory_space<hbm>> -> memref<6400xi32, #tpu.memory_space<hbm>>
      tpu.wait_dma2 semaphore(%run_scoped3A : memref<!tpu.dma_semaphore, #tpu.memory_space<semaphore_mem>>) src(%dma_wait3A_51 : memref<6400xi32, #tpu.memory_space<hbm>>) dst(%arg5 : memref<6400xi32, #tpu.memory_space<vmem>>)
      tpu.yield
    }) : () -> ()
    %broadcast_in_dim3A = arith.constant 0.000000e+00 : f32
    %broadcast_in_dim3A_5 = vector.broadcast %broadcast_in_dim3A : f32 to vector<16xf32>
    %broadcast_in_dim3A_6 = arith.constant 0.000000e+00 : f32
    %broadcast_in_dim3A_7 = vector.broadcast %broadcast_in_dim3A_6 : f32 to vector<16xf32>
    %broadcast_in_dim3A_8 = arith.constant 0.000000e+00 : f32
    %broadcast_in_dim3A_9 = vector.broadcast %broadcast_in_dim3A_8 : f32 to vector<16xf32>
    %broadcast_in_dim3A_10 = arith.constant 0.000000e+00 : f32
    %broadcast_in_dim3A_11 = vector.broadcast %broadcast_in_dim3A_10 : f32 to vector<16xf32>
    %broadcast_in_dim3A_12 = arith.constant 0.000000e+00 : f32
    %broadcast_in_dim3A_13 = vector.broadcast %broadcast_in_dim3A_12 : f32 to vector<16xf32>
    %broadcast_in_dim3A_14 = arith.constant 0.000000e+00 : f32
    %broadcast_in_dim3A_15 = vector.broadcast %broadcast_in_dim3A_14 : f32 to vector<16xf32>
    %broadcast_in_dim3A_16 = arith.constant 0.000000e+00 : f32
    %broadcast_in_dim3A_17 = vector.broadcast %broadcast_in_dim3A_16 : f32 to vector<16xf32>
    %broadcast_in_dim3A_18 = arith.constant 0.000000e+00 : f32
    %broadcast_in_dim3A_19 = vector.broadcast %broadcast_in_dim3A_18 : f32 to vector<16xf32>
    %multiple_of3A = arith.constant 0 : i32
    %multiple_of3A_20 = tpu.assume_multiple %multiple_of3A, 8 : i32
    %dma_start3A = tpu.memref_slice %arg5[%multiple_of3A_20] : memref<6400xi32, #tpu.memory_space<vmem>> -> memref<104xi32, #tpu.memory_space<vmem>>
    %dma_start3A_21 = arith.constant 0 : i32
    %dma_start3A_22 = arith.constant 0 : i32
    %dma_start3A_23 = tpu.memref_slice %arg3[%dma_start3A_21, %dma_start3A_22] : memref<50176x128xf32, #tpu.memory_space<hbm>> -> memref<50176x128xf32, #tpu.memory_space<hbm>>
    tpu.enqueue_indirect_dma source(%dma_start3A_23 : memref<50176x128xf32, #tpu.memory_space<hbm>>) target(%arg6 : memref<104x128xf32, #tpu.memory_space<vmem>>) offsets(%dma_start3A : memref<104xi32, #tpu.memory_space<vmem>>) semaphore(%arg11 : memref<!tpu.dma_semaphore, #tpu.memory_space<semaphore_mem>>)
    %multiple_of3A_24 = arith.constant 104 : i32
    %multiple_of3A_25 = tpu.assume_multiple %multiple_of3A_24, 8 : i32
    %dma_start3A_26 = tpu.memref_slice %arg5[%multiple_of3A_25] : memref<6400xi32, #tpu.memory_space<vmem>> -> memref<96xi32, #tpu.memory_space<vmem>>
    %dma_start3A_27 = arith.constant 0 : i32
    %dma_start3A_28 = arith.constant 0 : i32
    %dma_start3A_29 = tpu.memref_slice %arg3[%dma_start3A_27, %dma_start3A_28] : memref<50176x128xf32, #tpu.memory_space<hbm>> -> memref<50176x128xf32, #tpu.memory_space<hbm>>
    tpu.enqueue_indirect_dma source(%dma_start3A_29 : memref<50176x128xf32, #tpu.memory_space<hbm>>) target(%arg7 : memref<96x128xf32, #tpu.memory_space<vmem>>) offsets(%dma_start3A_26 : memref<96xi32, #tpu.memory_space<vmem>>) semaphore(%arg12 : memref<!tpu.dma_semaphore, #tpu.memory_space<semaphore_mem>>)
    %multiple_of3A_30 = arith.constant 200 : i32
    %multiple_of3A_31 = tpu.assume_multiple %multiple_of3A_30, 8 : i32
    %dma_start3A_32 = tpu.memref_slice %arg5[%multiple_of3A_31] : memref<6400xi32, #tpu.memory_space<vmem>> -> memref<104xi32, #tpu.memory_space<vmem>>
    %dma_start3A_33 = arith.constant 0 : i32
    %dma_start3A_34 = arith.constant 0 : i32
    %dma_start3A_35 = tpu.memref_slice %arg3[%dma_start3A_33, %dma_start3A_34] : memref<50176x128xf32, #tpu.memory_space<hbm>> -> memref<50176x128xf32, #tpu.memory_space<hbm>>
    tpu.enqueue_indirect_dma source(%dma_start3A_35 : memref<50176x128xf32, #tpu.memory_space<hbm>>) target(%arg8 : memref<104x128xf32, #tpu.memory_space<vmem>>) offsets(%dma_start3A_32 : memref<104xi32, #tpu.memory_space<vmem>>) semaphore(%arg13 : memref<!tpu.dma_semaphore, #tpu.memory_space<semaphore_mem>>)
    %multiple_of3A_36 = arith.constant 304 : i32
    %multiple_of3A_37 = tpu.assume_multiple %multiple_of3A_36, 8 : i32
    %dma_start3A_38 = tpu.memref_slice %arg5[%multiple_of3A_37] : memref<6400xi32, #tpu.memory_space<vmem>> -> memref<96xi32, #tpu.memory_space<vmem>>
    %dma_start3A_39 = arith.constant 0 : i32
    %dma_start3A_40 = arith.constant 0 : i32
    %dma_start3A_41 = tpu.memref_slice %arg3[%dma_start3A_39, %dma_start3A_40] : memref<50176x128xf32, #tpu.memory_space<hbm>> -> memref<50176x128xf32, #tpu.memory_space<hbm>>
    tpu.enqueue_indirect_dma source(%dma_start3A_41 : memref<50176x128xf32, #tpu.memory_space<hbm>>) target(%arg9 : memref<96x128xf32, #tpu.memory_space<vmem>>) offsets(%dma_start3A_38 : memref<96xi32, #tpu.memory_space<vmem>>) semaphore(%arg14 : memref<!tpu.dma_semaphore, #tpu.memory_space<semaphore_mem>>)
    %scan3A = arith.constant 0 : i32
    %scan3A_42 = arith.constant 0 : i32
    %scan3A_43 = arith.constant 16 : i32
    %scan3A_44 = arith.addi %scan3A_42, %scan3A_43 : i32
    %scan3A_45 = arith.constant 1 : i32
    scf.for %scan3A_49 = %scan3A_42 to %scan3A_44 step %scan3A_45  : i32 {
      %mul3A_50 = arith.constant 2 : i32
      %mul3A_51 = arith.muli %mul3A_50, %scan3A_49 : i32
      %add3A_52 = arith.constant 0 : i32
      %add3A_53 = arith.addi %mul3A_51, %add3A_52 : i32
      %mul3A_54 = arith.constant 200 : i32
      %mul3A_55 = arith.muli %add3A_53, %mul3A_54 : i32
      %multiple_of3A_56 = tpu.assume_multiple %mul3A_55, 8 : i32
      %dma_wait3A = tpu.memref_slice %arg5[%multiple_of3A_56] : memref<6400xi32, #tpu.memory_space<vmem>> -> memref<104xi32, #tpu.memory_space<vmem>>
      %dma_wait3A_57 = arith.constant 0 : i32
      %dma_wait3A_58 = arith.constant 0 : i32
      %dma_wait3A_59 = tpu.memref_slice %arg3[%dma_wait3A_57, %dma_wait3A_58] : memref<50176x128xf32, #tpu.memory_space<hbm>> -> memref<50176x128xf32, #tpu.memory_space<hbm>>
      tpu.wait_indirect_dma semaphore(%arg11 : memref<!tpu.dma_semaphore, #tpu.memory_space<semaphore_mem>>) src(%dma_wait3A_59 : memref<50176x128xf32, #tpu.memory_space<hbm>>) dst(%arg6 : memref<104x128xf32, #tpu.memory_space<vmem>>)
      %scan3A_60 = arith.constant 0 : i32
      %scan3A_61 = arith.constant 104 : i32
      %scan3A_62 = arith.addi %scan3A_60, %scan3A_61 : i32
      %scan3A_63 = arith.constant 1 : i32
      %scan3A_64:8 = scf.for %scan3A_217 = %scan3A_60 to %scan3A_62 step %scan3A_63 iter_args(%scan3A_218 = %broadcast_in_dim3A_5, %scan3A_219 = %broadcast_in_dim3A_7, %scan3A_220 = %broadcast_in_dim3A_9, %scan3A_221 = %broadcast_in_dim3A_11, %scan3A_222 = %broadcast_in_dim3A_13, %scan3A_223 = %broadcast_in_dim3A_15, %scan3A_224 = %broadcast_in_dim3A_17, %scan3A_225 = %broadcast_in_dim3A_19) -> (vector<16xf32>, vector<16xf32>, vector<16xf32>, vector<16xf32>, vector<16xf32>, vector<16xf32>, vector<16xf32>, vector<16xf32>)  : i32 {
        %get3A = arith.index_cast %scan3A_217 : i32 to index
        %get3A_226 = arith.constant 0 : index
        %get3A_227 = tpu.vector_load %arg6[%get3A, %get3A_226] {strides = array<i32>} : memref<104x128xf32, #tpu.memory_space<vmem>>, vector<1x16xf32>,
        %get3A_228 = vector.shape_cast %get3A_227 : vector<1x16xf32> to vector<16xf32>
        %add3A_229 = arith.addf %scan3A_218, %get3A_228 : vector<16xf32>
        %get3A_230 = arith.index_cast %scan3A_217 : i32 to index
        %get3A_231 = arith.constant 16 : index
        %get3A_232 = tpu.vector_load %arg6[%get3A_230, %get3A_231] {strides = array<i32>} : memref<104x128xf32, #tpu.memory_space<vmem>>, vector<1x16xf32>,
        %get3A_233 = vector.shape_cast %get3A_232 : vector<1x16xf32> to vector<16xf32>
        %add3A_234 = arith.addf %scan3A_219, %get3A_233 : vector<16xf32>
        %get3A_235 = arith.index_cast %scan3A_217 : i32 to index
        %get3A_236 = arith.constant 32 : index
        %get3A_237 = tpu.vector_load %arg6[%get3A_235, %get3A_236] {strides = array<i32>} : memref<104x128xf32, #tpu.memory_space<vmem>>, vector<1x16xf32>,
        %get3A_238 = vector.shape_cast %get3A_237 : vector<1x16xf32> to vector<16xf32>
        %add3A_239 = arith.addf %scan3A_220, %get3A_238 : vector<16xf32>
        %get3A_240 = arith.index_cast %scan3A_217 : i32 to index
        %get3A_241 = arith.constant 48 : index
        %get3A_242 = tpu.vector_load %arg6[%get3A_240, %get3A_241] {strides = array<i32>} : memref<104x128xf32, #tpu.memory_space<vmem>>, vector<1x16xf32>,
        %get3A_243 = vector.shape_cast %get3A_242 : vector<1x16xf32> to vector<16xf32>
        %add3A_244 = arith.addf %scan3A_221, %get3A_243 : vector<16xf32>
        %get3A_245 = arith.index_cast %scan3A_217 : i32 to index
        %get3A_246 = arith.constant 64 : index
        %get3A_247 = tpu.vector_load %arg6[%get3A_245, %get3A_246] {strides = array<i32>} : memref<104x128xf32, #tpu.memory_space<vmem>>, vector<1x16xf32>,
        %get3A_248 = vector.shape_cast %get3A_247 : vector<1x16xf32> to vector<16xf32>
        %add3A_249 = arith.addf %scan3A_222, %get3A_248 : vector<16xf32>
        %get3A_250 = arith.index_cast %scan3A_217 : i32 to index
        %get3A_251 = arith.constant 80 : index
        %get3A_252 = tpu.vector_load %arg6[%get3A_250, %get3A_251] {strides = array<i32>} : memref<104x128xf32, #tpu.memory_space<vmem>>, vector<1x16xf32>,
        %get3A_253 = vector.shape_cast %get3A_252 : vector<1x16xf32> to vector<16xf32>
        %add3A_254 = arith.addf %scan3A_223, %get3A_253 : vector<16xf32>
        %get3A_255 = arith.index_cast %scan3A_217 : i32 to index
        %get3A_256 = arith.constant 96 : index
        %get3A_257 = tpu.vector_load %arg6[%get3A_255, %get3A_256] {strides = array<i32>} : memref<104x128xf32, #tpu.memory_space<vmem>>, vector<1x16xf32>,
        %get3A_258 = vector.shape_cast %get3A_257 : vector<1x16xf32> to vector<16xf32>
        %add3A_259 = arith.addf %scan3A_224, %get3A_258 : vector<16xf32>
        %get3A_260 = arith.index_cast %scan3A_217 : i32 to index
        %get3A_261 = arith.constant 112 : index
        %get3A_262 = tpu.vector_load %arg6[%get3A_260, %get3A_261] {strides = array<i32>} : memref<104x128xf32, #tpu.memory_space<vmem>>, vector<1x16xf32>,
        %get3A_263 = vector.shape_cast %get3A_262 : vector<1x16xf32> to vector<16xf32>
        %add3A_264 = arith.addf %scan3A_225, %get3A_263 : vector<16xf32>
        scf.yield %add3A_229, %add3A_234, %add3A_239, %add3A_244, %add3A_249, %add3A_254, %add3A_259, %add3A_264 : vector<16xf32>, vector<16xf32>, vector<16xf32>, vector<16xf32>, vector<16xf32>, vector<16xf32>, vector<16xf32>, vector<16xf32>
      }
      %scan3A_65 = arith.constant 104 : i32
      %add3A_66 = arith.constant 2 : i32
      %add3A_67 = arith.addi %add3A_53, %add3A_66 : i32
      %lt3A = arith.constant 32 : i32
      %lt3A_68 = arith.cmpi slt, %add3A_67, %lt3A : i32
      %convert_element_type3A = arith.extui %lt3A_68 : i1 to i32
      %cond3A = arith.constant 0 : i32
      %cond3A_69 = arith.cmpi ne, %convert_element_type3A, %cond3A : i32
      scf.if %cond3A_69 {
        %add3A_217 = arith.constant 2 : i32
        %add3A_218 = arith.addi %add3A_53, %add3A_217 : i32
        %mul3A_219 = arith.constant 200 : i32
        %mul3A_220 = arith.muli %add3A_218, %mul3A_219 : i32
        %multiple_of3A_221 = tpu.assume_multiple %mul3A_220, 8 : i32
        %dma_start3A_222 = tpu.memref_slice %arg5[%multiple_of3A_221] : memref<6400xi32, #tpu.memory_space<vmem>> -> memref<104xi32, #tpu.memory_space<vmem>>
        %dma_start3A_223 = arith.constant 0 : i32
        %dma_start3A_224 = arith.constant 0 : i32
        %dma_start3A_225 = tpu.memref_slice %arg3[%dma_start3A_223, %dma_start3A_224] : memref<50176x128xf32, #tpu.memory_space<hbm>> -> memref<50176x128xf32, #tpu.memory_space<hbm>>
        tpu.enqueue_indirect_dma source(%dma_start3A_225 : memref<50176x128xf32, #tpu.memory_space<hbm>>) target(%arg6 : memref<104x128xf32, #tpu.memory_space<vmem>>) offsets(%dma_start3A_222 : memref<104xi32, #tpu.memory_space<vmem>>) semaphore(%arg11 : memref<!tpu.dma_semaphore, #tpu.memory_space<semaphore_mem>>)
      } else {
      }
      %mul3A_70 = arith.constant 200 : i32
      %mul3A_71 = arith.muli %add3A_53, %mul3A_70 : i32
      %add3A_72 = arith.constant 104 : i32
      %add3A_73 = arith.addi %mul3A_71, %add3A_72 : i32
      %multiple_of3A_74 = tpu.assume_multiple %add3A_73, 8 : i32
      %dma_wait3A_75 = tpu.memref_slice %arg5[%multiple_of3A_74] : memref<6400xi32, #tpu.memory_space<vmem>> -> memref<96xi32, #tpu.memory_space<vmem>>
      %dma_wait3A_76 = arith.constant 0 : i32
      %dma_wait3A_77 = arith.constant 0 : i32
      %dma_wait3A_78 = tpu.memref_slice %arg3[%dma_wait3A_76, %dma_wait3A_77] : memref<50176x128xf32, #tpu.memory_space<hbm>> -> memref<50176x128xf32, #tpu.memory_space<hbm>>
      tpu.wait_indirect_dma semaphore(%arg12 : memref<!tpu.dma_semaphore, #tpu.memory_space<semaphore_mem>>) src(%dma_wait3A_78 : memref<50176x128xf32, #tpu.memory_space<hbm>>) dst(%arg7 : memref<96x128xf32, #tpu.memory_space<vmem>>)
      %scan3A_79 = arith.constant 0 : i32
      %scan3A_80 = arith.constant 96 : i32
      %scan3A_81 = arith.addi %scan3A_79, %scan3A_80 : i32
      %scan3A_82 = arith.constant 1 : i32
      %scan3A_83:8 = scf.for %scan3A_217 = %scan3A_79 to %scan3A_81 step %scan3A_82 iter_args(%scan3A_218 = %scan3A_64#0, %scan3A_219 = %scan3A_64#1, %scan3A_220 = %scan3A_64#2, %scan3A_221 = %scan3A_64#3, %scan3A_222 = %scan3A_64#4, %scan3A_223 = %scan3A_64#5, %scan3A_224 = %scan3A_64#6, %scan3A_225 = %scan3A_64#7) -> (vector<16xf32>, vector<16xf32>, vector<16xf32>, vector<16xf32>, vector<16xf32>, vector<16xf32>, vector<16xf32>, vector<16xf32>)  : i32 {
        %get3A = arith.index_cast %scan3A_217 : i32 to index
        %get3A_226 = arith.constant 0 : index
        %get3A_227 = tpu.vector_load %arg7[%get3A, %get3A_226] {strides = array<i32>} : memref<96x128xf32, #tpu.memory_space<vmem>>, vector<1x16xf32>,
        %get3A_228 = vector.shape_cast %get3A_227 : vector<1x16xf32> to vector<16xf32>
        %add3A_229 = arith.addf %scan3A_218, %get3A_228 : vector<16xf32>
        %get3A_230 = arith.index_cast %scan3A_217 : i32 to index
        %get3A_231 = arith.constant 16 : index
        %get3A_232 = tpu.vector_load %arg7[%get3A_230, %get3A_231] {strides = array<i32>} : memref<96x128xf32, #tpu.memory_space<vmem>>, vector<1x16xf32>,
        %get3A_233 = vector.shape_cast %get3A_232 : vector<1x16xf32> to vector<16xf32>
        %add3A_234 = arith.addf %scan3A_219, %get3A_233 : vector<16xf32>
        %get3A_235 = arith.index_cast %scan3A_217 : i32 to index
        %get3A_236 = arith.constant 32 : index
        %get3A_237 = tpu.vector_load %arg7[%get3A_235, %get3A_236] {strides = array<i32>} : memref<96x128xf32, #tpu.memory_space<vmem>>, vector<1x16xf32>,
        %get3A_238 = vector.shape_cast %get3A_237 : vector<1x16xf32> to vector<16xf32>
        %add3A_239 = arith.addf %scan3A_220, %get3A_238 : vector<16xf32>
        %get3A_240 = arith.index_cast %scan3A_217 : i32 to index
        %get3A_241 = arith.constant 48 : index
        %get3A_242 = tpu.vector_load %arg7[%get3A_240, %get3A_241] {strides = array<i32>} : memref<96x128xf32, #tpu.memory_space<vmem>>, vector<1x16xf32>,
        %get3A_243 = vector.shape_cast %get3A_242 : vector<1x16xf32> to vector<16xf32>
        %add3A_244 = arith.addf %scan3A_221, %get3A_243 : vector<16xf32>
        %get3A_245 = arith.index_cast %scan3A_217 : i32 to index
        %get3A_246 = arith.constant 64 : index
        %get3A_247 = tpu.vector_load %arg7[%get3A_245, %get3A_246] {strides = array<i32>} : memref<96x128xf32, #tpu.memory_space<vmem>>, vector<1x16xf32>,
        %get3A_248 = vector.shape_cast %get3A_247 : vector<1x16xf32> to vector<16xf32>
        %add3A_249 = arith.addf %scan3A_222, %get3A_248 : vector<16xf32>
        %get3A_250 = arith.index_cast %scan3A_217 : i32 to index
        %get3A_251 = arith.constant 80 : index
        %get3A_252 = tpu.vector_load %arg7[%get3A_250, %get3A_251] {strides = array<i32>} : memref<96x128xf32, #tpu.memory_space<vmem>>, vector<1x16xf32>,
        %get3A_253 = vector.shape_cast %get3A_252 : vector<1x16xf32> to vector<16xf32>
        %add3A_254 = arith.addf %scan3A_223, %get3A_253 : vector<16xf32>
        %get3A_255 = arith.index_cast %scan3A_217 : i32 to index
        %get3A_256 = arith.constant 96 : index
        %get3A_257 = tpu.vector_load %arg7[%get3A_255, %get3A_256] {strides = array<i32>} : memref<96x128xf32, #tpu.memory_space<vmem>>, vector<1x16xf32>,
        %get3A_258 = vector.shape_cast %get3A_257 : vector<1x16xf32> to vector<16xf32>
        %add3A_259 = arith.addf %scan3A_224, %get3A_258 : vector<16xf32>
        %get3A_260 = arith.index_cast %scan3A_217 : i32 to index
        %get3A_261 = arith.constant 112 : index
        %get3A_262 = tpu.vector_load %arg7[%get3A_260, %get3A_261] {strides = array<i32>} : memref<96x128xf32, #tpu.memory_space<vmem>>, vector<1x16xf32>,
        %get3A_263 = vector.shape_cast %get3A_262 : vector<1x16xf32> to vector<16xf32>
        %add3A_264 = arith.addf %scan3A_225, %get3A_263 : vector<16xf32>
        scf.yield %add3A_229, %add3A_234, %add3A_239, %add3A_244, %add3A_249, %add3A_254, %add3A_259, %add3A_264 : vector<16xf32>, vector<16xf32>, vector<16xf32>, vector<16xf32>, vector<16xf32>, vector<16xf32>, vector<16xf32>, vector<16xf32>
      }
      %scan3A_84 = arith.constant 96 : i32
      %add3A_85 = arith.constant 2 : i32
      %add3A_86 = arith.addi %add3A_53, %add3A_85 : i32
      %lt3A_87 = arith.constant 32 : i32
      %lt3A_88 = arith.cmpi slt, %add3A_86, %lt3A_87 : i32
      %convert_element_type3A_89 = arith.extui %lt3A_88 : i1 to i32
      %cond3A_90 = arith.constant 0 : i32
      %cond3A_91 = arith.cmpi ne, %convert_element_type3A_89, %cond3A_90 : i32
      scf.if %cond3A_91 {
        %add3A_217 = arith.constant 2 : i32
        %add3A_218 = arith.addi %add3A_53, %add3A_217 : i32
        %mul3A_219 = arith.constant 200 : i32
        %mul3A_220 = arith.muli %add3A_218, %mul3A_219 : i32
        %add3A_221 = arith.constant 104 : i32
        %add3A_222 = arith.addi %mul3A_220, %add3A_221 : i32
        %multiple_of3A_223 = tpu.assume_multiple %add3A_222, 8 : i32
        %dma_start3A_224 = tpu.memref_slice %arg5[%multiple_of3A_223] : memref<6400xi32, #tpu.memory_space<vmem>> -> memref<96xi32, #tpu.memory_space<vmem>>
        %dma_start3A_225 = arith.constant 0 : i32
        %dma_start3A_226 = arith.constant 0 : i32
        %dma_start3A_227 = tpu.memref_slice %arg3[%dma_start3A_225, %dma_start3A_226] : memref<50176x128xf32, #tpu.memory_space<hbm>> -> memref<50176x128xf32, #tpu.memory_space<hbm>>
        tpu.enqueue_indirect_dma source(%dma_start3A_227 : memref<50176x128xf32, #tpu.memory_space<hbm>>) target(%arg7 : memref<96x128xf32, #tpu.memory_space<vmem>>) offsets(%dma_start3A_224 : memref<96xi32, #tpu.memory_space<vmem>>) semaphore(%arg12 : memref<!tpu.dma_semaphore, #tpu.memory_space<semaphore_mem>>)
      } else {
      }
      %swap3A = arith.index_cast %add3A_53 : i32 to index
      %swap3A_92 = arith.constant 0 : index
      %swap3A_93 = tpu.vector_load %arg10[%swap3A, %swap3A_92] {strides = array<i32>} : memref<32x128xf32, #tpu.memory_space<vmem>>, vector<1x16xf32>,
      %swap3A_94 = vector.shape_cast %swap3A_93 : vector<1x16xf32> to vector<16xf32>
      %swap3A_95 = vector.shape_cast %scan3A_83#0 : vector<16xf32> to vector<1x16xf32>
      tpu.vector_store %arg10[%swap3A, %swap3A_92], %swap3A_95 {strides = array<i32>} : memref<32x128xf32, #tpu.memory_space<vmem>>, vector<1x16xf32>,
      %swap3A_96 = arith.index_cast %add3A_53 : i32 to index
      %swap3A_97 = arith.constant 16 : index
      %swap3A_98 = tpu.vector_load %arg10[%swap3A_96, %swap3A_97] {strides = array<i32>} : memref<32x128xf32, #tpu.memory_space<vmem>>, vector<1x16xf32>,
      %swap3A_99 = vector.shape_cast %swap3A_98 : vector<1x16xf32> to vector<16xf32>
      %swap3A_100 = vector.shape_cast %scan3A_83#1 : vector<16xf32> to vector<1x16xf32>
      tpu.vector_store %arg10[%swap3A_96, %swap3A_97], %swap3A_100 {strides = array<i32>} : memref<32x128xf32, #tpu.memory_space<vmem>>, vector<1x16xf32>,
      %swap3A_101 = arith.index_cast %add3A_53 : i32 to index
      %swap3A_102 = arith.constant 32 : index
      %swap3A_103 = tpu.vector_load %arg10[%swap3A_101, %swap3A_102] {strides = array<i32>} : memref<32x128xf32, #tpu.memory_space<vmem>>, vector<1x16xf32>,
      %swap3A_104 = vector.shape_cast %swap3A_103 : vector<1x16xf32> to vector<16xf32>
      %swap3A_105 = vector.shape_cast %scan3A_83#2 : vector<16xf32> to vector<1x16xf32>
      tpu.vector_store %arg10[%swap3A_101, %swap3A_102], %swap3A_105 {strides = array<i32>} : memref<32x128xf32, #tpu.memory_space<vmem>>, vector<1x16xf32>,
      %swap3A_106 = arith.index_cast %add3A_53 : i32 to index
      %swap3A_107 = arith.constant 48 : index
      %swap3A_108 = tpu.vector_load %arg10[%swap3A_106, %swap3A_107] {strides = array<i32>} : memref<32x128xf32, #tpu.memory_space<vmem>>, vector<1x16xf32>,
      %swap3A_109 = vector.shape_cast %swap3A_108 : vector<1x16xf32> to vector<16xf32>
      %swap3A_110 = vector.shape_cast %scan3A_83#3 : vector<16xf32> to vector<1x16xf32>
      tpu.vector_store %arg10[%swap3A_106, %swap3A_107], %swap3A_110 {strides = array<i32>} : memref<32x128xf32, #tpu.memory_space<vmem>>, vector<1x16xf32>,
      %swap3A_111 = arith.index_cast %add3A_53 : i32 to index
      %swap3A_112 = arith.constant 64 : index
      %swap3A_113 = tpu.vector_load %arg10[%swap3A_111, %swap3A_112] {strides = array<i32>} : memref<32x128xf32, #tpu.memory_space<vmem>>, vector<1x16xf32>,
      %swap3A_114 = vector.shape_cast %swap3A_113 : vector<1x16xf32> to vector<16xf32>
      %swap3A_115 = vector.shape_cast %scan3A_83#4 : vector<16xf32> to vector<1x16xf32>
      tpu.vector_store %arg10[%swap3A_111, %swap3A_112], %swap3A_115 {strides = array<i32>} : memref<32x128xf32, #tpu.memory_space<vmem>>, vector<1x16xf32>,
      %swap3A_116 = arith.index_cast %add3A_53 : i32 to index
      %swap3A_117 = arith.constant 80 : index
      %swap3A_118 = tpu.vector_load %arg10[%swap3A_116, %swap3A_117] {strides = array<i32>} : memref<32x128xf32, #tpu.memory_space<vmem>>, vector<1x16xf32>,
      %swap3A_119 = vector.shape_cast %swap3A_118 : vector<1x16xf32> to vector<16xf32>
      %swap3A_120 = vector.shape_cast %scan3A_83#5 : vector<16xf32> to vector<1x16xf32>
      tpu.vector_store %arg10[%swap3A_116, %swap3A_117], %swap3A_120 {strides = array<i32>} : memref<32x128xf32, #tpu.memory_space<vmem>>, vector<1x16xf32>,
      %swap3A_121 = arith.index_cast %add3A_53 : i32 to index
      %swap3A_122 = arith.constant 96 : index
      %swap3A_123 = tpu.vector_load %arg10[%swap3A_121, %swap3A_122] {strides = array<i32>} : memref<32x128xf32, #tpu.memory_space<vmem>>, vector<1x16xf32>,
      %swap3A_124 = vector.shape_cast %swap3A_123 : vector<1x16xf32> to vector<16xf32>
      %swap3A_125 = vector.shape_cast %scan3A_83#6 : vector<16xf32> to vector<1x16xf32>
      tpu.vector_store %arg10[%swap3A_121, %swap3A_122], %swap3A_125 {strides = array<i32>} : memref<32x128xf32, #tpu.memory_space<vmem>>, vector<1x16xf32>,
      %swap3A_126 = arith.index_cast %add3A_53 : i32 to index
      %swap3A_127 = arith.constant 112 : index
      %swap3A_128 = tpu.vector_load %arg10[%swap3A_126, %swap3A_127] {strides = array<i32>} : memref<32x128xf32, #tpu.memory_space<vmem>>, vector<1x16xf32>,
      %swap3A_129 = vector.shape_cast %swap3A_128 : vector<1x16xf32> to vector<16xf32>
      %swap3A_130 = vector.shape_cast %scan3A_83#7 : vector<16xf32> to vector<1x16xf32>
      tpu.vector_store %arg10[%swap3A_126, %swap3A_127], %swap3A_130 {strides = array<i32>} : memref<32x128xf32, #tpu.memory_space<vmem>>, vector<1x16xf32>,
      %mul3A_131 = arith.constant 2 : i32
      %mul3A_132 = arith.muli %mul3A_131, %scan3A_49 : i32
      %add3A_133 = arith.constant 1 : i32
      %add3A_134 = arith.addi %mul3A_132, %add3A_133 : i32
      %mul3A_135 = arith.constant 200 : i32
      %mul3A_136 = arith.muli %add3A_134, %mul3A_135 : i32
      %multiple_of3A_137 = tpu.assume_multiple %mul3A_136, 8 : i32
      %dma_wait3A_138 = tpu.memref_slice %arg5[%multiple_of3A_137] : memref<6400xi32, #tpu.memory_space<vmem>> -> memref<104xi32, #tpu.memory_space<vmem>>
      %dma_wait3A_139 = arith.constant 0 : i32
      %dma_wait3A_140 = arith.constant 0 : i32
      %dma_wait3A_141 = tpu.memref_slice %arg3[%dma_wait3A_139, %dma_wait3A_140] : memref<50176x128xf32, #tpu.memory_space<hbm>> -> memref<50176x128xf32, #tpu.memory_space<hbm>>
      tpu.wait_indirect_dma semaphore(%arg13 : memref<!tpu.dma_semaphore, #tpu.memory_space<semaphore_mem>>) src(%dma_wait3A_141 : memref<50176x128xf32, #tpu.memory_space<hbm>>) dst(%arg8 : memref<104x128xf32, #tpu.memory_space<vmem>>)
      %scan3A_142 = arith.constant 0 : i32
      %scan3A_143 = arith.constant 104 : i32
      %scan3A_144 = arith.addi %scan3A_142, %scan3A_143 : i32
      %scan3A_145 = arith.constant 1 : i32
      %scan3A_146:8 = scf.for %scan3A_217 = %scan3A_142 to %scan3A_144 step %scan3A_145 iter_args(%scan3A_218 = %broadcast_in_dim3A_5, %scan3A_219 = %broadcast_in_dim3A_7, %scan3A_220 = %broadcast_in_dim3A_9, %scan3A_221 = %broadcast_in_dim3A_11, %scan3A_222 = %broadcast_in_dim3A_13, %scan3A_223 = %broadcast_in_dim3A_15, %scan3A_224 = %broadcast_in_dim3A_17, %scan3A_225 = %broadcast_in_dim3A_19) -> (vector<16xf32>, vector<16xf32>, vector<16xf32>, vector<16xf32>, vector<16xf32>, vector<16xf32>, vector<16xf32>, vector<16xf32>)  : i32 {
        %get3A = arith.index_cast %scan3A_217 : i32 to index
        %get3A_226 = arith.constant 0 : index
        %get3A_227 = tpu.vector_load %arg8[%get3A, %get3A_226] {strides = array<i32>} : memref<104x128xf32, #tpu.memory_space<vmem>>, vector<1x16xf32>,
        %get3A_228 = vector.shape_cast %get3A_227 : vector<1x16xf32> to vector<16xf32>
        %add3A_229 = arith.addf %scan3A_218, %get3A_228 : vector<16xf32>
        %get3A_230 = arith.index_cast %scan3A_217 : i32 to index
        %get3A_231 = arith.constant 16 : index
        %get3A_232 = tpu.vector_load %arg8[%get3A_230, %get3A_231] {strides = array<i32>} : memref<104x128xf32, #tpu.memory_space<vmem>>, vector<1x16xf32>,
        %get3A_233 = vector.shape_cast %get3A_232 : vector<1x16xf32> to vector<16xf32>
        %add3A_234 = arith.addf %scan3A_219, %get3A_233 : vector<16xf32>
        %get3A_235 = arith.index_cast %scan3A_217 : i32 to index
        %get3A_236 = arith.constant 32 : index
        %get3A_237 = tpu.vector_load %arg8[%get3A_235, %get3A_236] {strides = array<i32>} : memref<104x128xf32, #tpu.memory_space<vmem>>, vector<1x16xf32>,
        %get3A_238 = vector.shape_cast %get3A_237 : vector<1x16xf32> to vector<16xf32>
        %add3A_239 = arith.addf %scan3A_220, %get3A_238 : vector<16xf32>
        %get3A_240 = arith.index_cast %scan3A_217 : i32 to index
        %get3A_241 = arith.constant 48 : index
        %get3A_242 = tpu.vector_load %arg8[%get3A_240, %get3A_241] {strides = array<i32>} : memref<104x128xf32, #tpu.memory_space<vmem>>, vector<1x16xf32>,
        %get3A_243 = vector.shape_cast %get3A_242 : vector<1x16xf32> to vector<16xf32>
        %add3A_244 = arith.addf %scan3A_221, %get3A_243 : vector<16xf32>
        %get3A_245 = arith.index_cast %scan3A_217 : i32 to index
        %get3A_246 = arith.constant 64 : index
        %get3A_247 = tpu.vector_load %arg8[%get3A_245, %get3A_246] {strides = array<i32>} : memref<104x128xf32, #tpu.memory_space<vmem>>, vector<1x16xf32>,
        %get3A_248 = vector.shape_cast %get3A_247 : vector<1x16xf32> to vector<16xf32>
        %add3A_249 = arith.addf %scan3A_222, %get3A_248 : vector<16xf32>
        %get3A_250 = arith.index_cast %scan3A_217 : i32 to index
        %get3A_251 = arith.constant 80 : index
        %get3A_252 = tpu.vector_load %arg8[%get3A_250, %get3A_251] {strides = array<i32>} : memref<104x128xf32, #tpu.memory_space<vmem>>, vector<1x16xf32>,
        %get3A_253 = vector.shape_cast %get3A_252 : vector<1x16xf32> to vector<16xf32>
        %add3A_254 = arith.addf %scan3A_223, %get3A_253 : vector<16xf32>
        %get3A_255 = arith.index_cast %scan3A_217 : i32 to index
        %get3A_256 = arith.constant 96 : index
        %get3A_257 = tpu.vector_load %arg8[%get3A_255, %get3A_256] {strides = array<i32>} : memref<104x128xf32, #tpu.memory_space<vmem>>, vector<1x16xf32>,
        %get3A_258 = vector.shape_cast %get3A_257 : vector<1x16xf32> to vector<16xf32>
        %add3A_259 = arith.addf %scan3A_224, %get3A_258 : vector<16xf32>
        %get3A_260 = arith.index_cast %scan3A_217 : i32 to index
        %get3A_261 = arith.constant 112 : index
        %get3A_262 = tpu.vector_load %arg8[%get3A_260, %get3A_261] {strides = array<i32>} : memref<104x128xf32, #tpu.memory_space<vmem>>, vector<1x16xf32>,
        %get3A_263 = vector.shape_cast %get3A_262 : vector<1x16xf32> to vector<16xf32>
        %add3A_264 = arith.addf %scan3A_225, %get3A_263 : vector<16xf32>
        scf.yield %add3A_229, %add3A_234, %add3A_239, %add3A_244, %add3A_249, %add3A_254, %add3A_259, %add3A_264 : vector<16xf32>, vector<16xf32>, vector<16xf32>, vector<16xf32>, vector<16xf32>, vector<16xf32>, vector<16xf32>, vector<16xf32>
      }
      %scan3A_147 = arith.constant 104 : i32
      %add3A_148 = arith.constant 2 : i32
      %add3A_149 = arith.addi %add3A_134, %add3A_148 : i32
      %lt3A_150 = arith.constant 32 : i32
      %lt3A_151 = arith.cmpi slt, %add3A_149, %lt3A_150 : i32
      %convert_element_type3A_152 = arith.extui %lt3A_151 : i1 to i32
      %cond3A_153 = arith.constant 0 : i32
      %cond3A_154 = arith.cmpi ne, %convert_element_type3A_152, %cond3A_153 : i32
      scf.if %cond3A_154 {
        %add3A_217 = arith.constant 2 : i32
        %add3A_218 = arith.addi %add3A_134, %add3A_217 : i32
        %mul3A_219 = arith.constant 200 : i32
        %mul3A_220 = arith.muli %add3A_218, %mul3A_219 : i32
        %multiple_of3A_221 = tpu.assume_multiple %mul3A_220, 8 : i32
        %dma_start3A_222 = tpu.memref_slice %arg5[%multiple_of3A_221] : memref<6400xi32, #tpu.memory_space<vmem>> -> memref<104xi32, #tpu.memory_space<vmem>>
        %dma_start3A_223 = arith.constant 0 : i32
        %dma_start3A_224 = arith.constant 0 : i32
        %dma_start3A_225 = tpu.memref_slice %arg3[%dma_start3A_223, %dma_start3A_224] : memref<50176x128xf32, #tpu.memory_space<hbm>> -> memref<50176x128xf32, #tpu.memory_space<hbm>>
        tpu.enqueue_indirect_dma source(%dma_start3A_225 : memref<50176x128xf32, #tpu.memory_space<hbm>>) target(%arg8 : memref<104x128xf32, #tpu.memory_space<vmem>>) offsets(%dma_start3A_222 : memref<104xi32, #tpu.memory_space<vmem>>) semaphore(%arg13 : memref<!tpu.dma_semaphore, #tpu.memory_space<semaphore_mem>>)
      } else {
      }
      %mul3A_155 = arith.constant 200 : i32
      %mul3A_156 = arith.muli %add3A_134, %mul3A_155 : i32
      %add3A_157 = arith.constant 104 : i32
      %add3A_158 = arith.addi %mul3A_156, %add3A_157 : i32
      %multiple_of3A_159 = tpu.assume_multiple %add3A_158, 8 : i32
      %dma_wait3A_160 = tpu.memref_slice %arg5[%multiple_of3A_159] : memref<6400xi32, #tpu.memory_space<vmem>> -> memref<96xi32, #tpu.memory_space<vmem>>
      %dma_wait3A_161 = arith.constant 0 : i32
      %dma_wait3A_162 = arith.constant 0 : i32
      %dma_wait3A_163 = tpu.memref_slice %arg3[%dma_wait3A_161, %dma_wait3A_162] : memref<50176x128xf32, #tpu.memory_space<hbm>> -> memref<50176x128xf32, #tpu.memory_space<hbm>>
      tpu.wait_indirect_dma semaphore(%arg14 : memref<!tpu.dma_semaphore, #tpu.memory_space<semaphore_mem>>) src(%dma_wait3A_163 : memref<50176x128xf32, #tpu.memory_space<hbm>>) dst(%arg9 : memref<96x128xf32, #tpu.memory_space<vmem>>)
      %scan3A_164 = arith.constant 0 : i32
      %scan3A_165 = arith.constant 96 : i32
      %scan3A_166 = arith.addi %scan3A_164, %scan3A_165 : i32
      %scan3A_167 = arith.constant 1 : i32
      %scan3A_168:8 = scf.for %scan3A_217 = %scan3A_164 to %scan3A_166 step %scan3A_167 iter_args(%scan3A_218 = %scan3A_146#0, %scan3A_219 = %scan3A_146#1, %scan3A_220 = %scan3A_146#2, %scan3A_221 = %scan3A_146#3, %scan3A_222 = %scan3A_146#4, %scan3A_223 = %scan3A_146#5, %scan3A_224 = %scan3A_146#6, %scan3A_225 = %scan3A_146#7) -> (vector<16xf32>, vector<16xf32>, vector<16xf32>, vector<16xf32>, vector<16xf32>, vector<16xf32>, vector<16xf32>, vector<16xf32>)  : i32 {
        %get3A = arith.index_cast %scan3A_217 : i32 to index
        %get3A_226 = arith.constant 0 : index
        %get3A_227 = tpu.vector_load %arg9[%get3A, %get3A_226] {strides = array<i32>} : memref<96x128xf32, #tpu.memory_space<vmem>>, vector<1x16xf32>,
        %get3A_228 = vector.shape_cast %get3A_227 : vector<1x16xf32> to vector<16xf32>
        %add3A_229 = arith.addf %scan3A_218, %get3A_228 : vector<16xf32>
        %get3A_230 = arith.index_cast %scan3A_217 : i32 to index
        %get3A_231 = arith.constant 16 : index
        %get3A_232 = tpu.vector_load %arg9[%get3A_230, %get3A_231] {strides = array<i32>} : memref<96x128xf32, #tpu.memory_space<vmem>>, vector<1x16xf32>,
        %get3A_233 = vector.shape_cast %get3A_232 : vector<1x16xf32> to vector<16xf32>
        %add3A_234 = arith.addf %scan3A_219, %get3A_233 : vector<16xf32>
        %get3A_235 = arith.index_cast %scan3A_217 : i32 to index
        %get3A_236 = arith.constant 32 : index
        %get3A_237 = tpu.vector_load %arg9[%get3A_235, %get3A_236] {strides = array<i32>} : memref<96x128xf32, #tpu.memory_space<vmem>>, vector<1x16xf32>,
        %get3A_238 = vector.shape_cast %get3A_237 : vector<1x16xf32> to vector<16xf32>
        %add3A_239 = arith.addf %scan3A_220, %get3A_238 : vector<16xf32>
        %get3A_240 = arith.index_cast %scan3A_217 : i32 to index
        %get3A_241 = arith.constant 48 : index
        %get3A_242 = tpu.vector_load %arg9[%get3A_240, %get3A_241] {strides = array<i32>} : memref<96x128xf32, #tpu.memory_space<vmem>>, vector<1x16xf32>,
        %get3A_243 = vector.shape_cast %get3A_242 : vector<1x16xf32> to vector<16xf32>
        %add3A_244 = arith.addf %scan3A_221, %get3A_243 : vector<16xf32>
        %get3A_245 = arith.index_cast %scan3A_217 : i32 to index
        %get3A_246 = arith.constant 64 : index
        %get3A_247 = tpu.vector_load %arg9[%get3A_245, %get3A_246] {strides = array<i32>} : memref<96x128xf32, #tpu.memory_space<vmem>>, vector<1x16xf32>,
        %get3A_248 = vector.shape_cast %get3A_247 : vector<1x16xf32> to vector<16xf32>
        %add3A_249 = arith.addf %scan3A_222, %get3A_248 : vector<16xf32>
        %get3A_250 = arith.index_cast %scan3A_217 : i32 to index
        %get3A_251 = arith.constant 80 : index
        %get3A_252 = tpu.vector_load %arg9[%get3A_250, %get3A_251] {strides = array<i32>} : memref<96x128xf32, #tpu.memory_space<vmem>>, vector<1x16xf32>,
        %get3A_253 = vector.shape_cast %get3A_252 : vector<1x16xf32> to vector<16xf32>
        %add3A_254 = arith.addf %scan3A_223, %get3A_253 : vector<16xf32>
        %get3A_255 = arith.index_cast %scan3A_217 : i32 to index
        %get3A_256 = arith.constant 96 : index
        %get3A_257 = tpu.vector_load %arg9[%get3A_255, %get3A_256] {strides = array<i32>} : memref<96x128xf32, #tpu.memory_space<vmem>>, vector<1x16xf32>,
        %get3A_258 = vector.shape_cast %get3A_257 : vector<1x16xf32> to vector<16xf32>
        %add3A_259 = arith.addf %scan3A_224, %get3A_258 : vector<16xf32>
        %get3A_260 = arith.index_cast %scan3A_217 : i32 to index
        %get3A_261 = arith.constant 112 : index
        %get3A_262 = tpu.vector_load %arg9[%get3A_260, %get3A_261] {strides = array<i32>} : memref<96x128xf32, #tpu.memory_space<vmem>>, vector<1x16xf32>,
        %get3A_263 = vector.shape_cast %get3A_262 : vector<1x16xf32> to vector<16xf32>
        %add3A_264 = arith.addf %scan3A_225, %get3A_263 : vector<16xf32>
        scf.yield %add3A_229, %add3A_234, %add3A_239, %add3A_244, %add3A_249, %add3A_254, %add3A_259, %add3A_264 : vector<16xf32>, vector<16xf32>, vector<16xf32>, vector<16xf32>, vector<16xf32>, vector<16xf32>, vector<16xf32>, vector<16xf32>
      }
      %scan3A_169 = arith.constant 96 : i32
      %add3A_170 = arith.constant 2 : i32
      %add3A_171 = arith.addi %add3A_134, %add3A_170 : i32
      %lt3A_172 = arith.constant 32 : i32
      %lt3A_173 = arith.cmpi slt, %add3A_171, %lt3A_172 : i32
      %convert_element_type3A_174 = arith.extui %lt3A_173 : i1 to i32
      %cond3A_175 = arith.constant 0 : i32
      %cond3A_176 = arith.cmpi ne, %convert_element_type3A_174, %cond3A_175 : i32
      scf.if %cond3A_176 {
        %add3A_217 = arith.constant 2 : i32
        %add3A_218 = arith.addi %add3A_134, %add3A_217 : i32
        %mul3A_219 = arith.constant 200 : i32
        %mul3A_220 = arith.muli %add3A_218, %mul3A_219 : i32
        %add3A_221 = arith.constant 104 : i32
        %add3A_222 = arith.addi %mul3A_220, %add3A_221 : i32
        %multiple_of3A_223 = tpu.assume_multiple %add3A_222, 8 : i32
        %dma_start3A_224 = tpu.memref_slice %arg5[%multiple_of3A_223] : memref<6400xi32, #tpu.memory_space<vmem>> -> memref<96xi32, #tpu.memory_space<vmem>>
        %dma_start3A_225 = arith.constant 0 : i32
        %dma_start3A_226 = arith.constant 0 : i32
        %dma_start3A_227 = tpu.memref_slice %arg3[%dma_start3A_225, %dma_start3A_226] : memref<50176x128xf32, #tpu.memory_space<hbm>> -> memref<50176x128xf32, #tpu.memory_space<hbm>>
        tpu.enqueue_indirect_dma source(%dma_start3A_227 : memref<50176x128xf32, #tpu.memory_space<hbm>>) target(%arg9 : memref<96x128xf32, #tpu.memory_space<vmem>>) offsets(%dma_start3A_224 : memref<96xi32, #tpu.memory_space<vmem>>) semaphore(%arg14 : memref<!tpu.dma_semaphore, #tpu.memory_space<semaphore_mem>>)
      } else {
      }
      %swap3A_177 = arith.index_cast %add3A_134 : i32 to index
      %swap3A_178 = arith.constant 0 : index
      %swap3A_179 = tpu.vector_load %arg10[%swap3A_177, %swap3A_178] {strides = array<i32>} : memref<32x128xf32, #tpu.memory_space<vmem>>, vector<1x16xf32>,
      %swap3A_180 = vector.shape_cast %swap3A_179 : vector<1x16xf32> to vector<16xf32>
      %swap3A_181 = vector.shape_cast %scan3A_168#0 : vector<16xf32> to vector<1x16xf32>
      tpu.vector_store %arg10[%swap3A_177, %swap3A_178], %swap3A_181 {strides = array<i32>} : memref<32x128xf32, #tpu.memory_space<vmem>>, vector<1x16xf32>,
      %swap3A_182 = arith.index_cast %add3A_134 : i32 to index
      %swap3A_183 = arith.constant 16 : index
      %swap3A_184 = tpu.vector_load %arg10[%swap3A_182, %swap3A_183] {strides = array<i32>} : memref<32x128xf32, #tpu.memory_space<vmem>>, vector<1x16xf32>,
      %swap3A_185 = vector.shape_cast %swap3A_184 : vector<1x16xf32> to vector<16xf32>
      %swap3A_186 = vector.shape_cast %scan3A_168#1 : vector<16xf32> to vector<1x16xf32>
      tpu.vector_store %arg10[%swap3A_182, %swap3A_183], %swap3A_186 {strides = array<i32>} : memref<32x128xf32, #tpu.memory_space<vmem>>, vector<1x16xf32>,
      %swap3A_187 = arith.index_cast %add3A_134 : i32 to index
      %swap3A_188 = arith.constant 32 : index
      %swap3A_189 = tpu.vector_load %arg10[%swap3A_187, %swap3A_188] {strides = array<i32>} : memref<32x128xf32, #tpu.memory_space<vmem>>, vector<1x16xf32>,
      %swap3A_190 = vector.shape_cast %swap3A_189 : vector<1x16xf32> to vector<16xf32>
      %swap3A_191 = vector.shape_cast %scan3A_168#2 : vector<16xf32> to vector<1x16xf32>
      tpu.vector_store %arg10[%swap3A_187, %swap3A_188], %swap3A_191 {strides = array<i32>} : memref<32x128xf32, #tpu.memory_space<vmem>>, vector<1x16xf32>,
      %swap3A_192 = arith.index_cast %add3A_134 : i32 to index
      %swap3A_193 = arith.constant 48 : index
      %swap3A_194 = tpu.vector_load %arg10[%swap3A_192, %swap3A_193] {strides = array<i32>} : memref<32x128xf32, #tpu.memory_space<vmem>>, vector<1x16xf32>,
      %swap3A_195 = vector.shape_cast %swap3A_194 : vector<1x16xf32> to vector<16xf32>
      %swap3A_196 = vector.shape_cast %scan3A_168#3 : vector<16xf32> to vector<1x16xf32>
      tpu.vector_store %arg10[%swap3A_192, %swap3A_193], %swap3A_196 {strides = array<i32>} : memref<32x128xf32, #tpu.memory_space<vmem>>, vector<1x16xf32>,
      %swap3A_197 = arith.index_cast %add3A_134 : i32 to index
      %swap3A_198 = arith.constant 64 : index
      %swap3A_199 = tpu.vector_load %arg10[%swap3A_197, %swap3A_198] {strides = array<i32>} : memref<32x128xf32, #tpu.memory_space<vmem>>, vector<1x16xf32>,
      %swap3A_200 = vector.shape_cast %swap3A_199 : vector<1x16xf32> to vector<16xf32>
      %swap3A_201 = vector.shape_cast %scan3A_168#4 : vector<16xf32> to vector<1x16xf32>
      tpu.vector_store %arg10[%swap3A_197, %swap3A_198], %swap3A_201 {strides = array<i32>} : memref<32x128xf32, #tpu.memory_space<vmem>>, vector<1x16xf32>,
      %swap3A_202 = arith.index_cast %add3A_134 : i32 to index
      %swap3A_203 = arith.constant 80 : index
      %swap3A_204 = tpu.vector_load %arg10[%swap3A_202, %swap3A_203] {strides = array<i32>} : memref<32x128xf32, #tpu.memory_space<vmem>>, vector<1x16xf32>,
      %swap3A_205 = vector.shape_cast %swap3A_204 : vector<1x16xf32> to vector<16xf32>
      %swap3A_206 = vector.shape_cast %scan3A_168#5 : vector<16xf32> to vector<1x16xf32>
      tpu.vector_store %arg10[%swap3A_202, %swap3A_203], %swap3A_206 {strides = array<i32>} : memref<32x128xf32, #tpu.memory_space<vmem>>, vector<1x16xf32>,
      %swap3A_207 = arith.index_cast %add3A_134 : i32 to index
      %swap3A_208 = arith.constant 96 : index
      %swap3A_209 = tpu.vector_load %arg10[%swap3A_207, %swap3A_208] {strides = array<i32>} : memref<32x128xf32, #tpu.memory_space<vmem>>, vector<1x16xf32>,
      %swap3A_210 = vector.shape_cast %swap3A_209 : vector<1x16xf32> to vector<16xf32>
      %swap3A_211 = vector.shape_cast %scan3A_168#6 : vector<16xf32> to vector<1x16xf32>
      tpu.vector_store %arg10[%swap3A_207, %swap3A_208], %swap3A_211 {strides = array<i32>} : memref<32x128xf32, #tpu.memory_space<vmem>>, vector<1x16xf32>,
      %swap3A_212 = arith.index_cast %add3A_134 : i32 to index
      %swap3A_213 = arith.constant 112 : index
      %swap3A_214 = tpu.vector_load %arg10[%swap3A_212, %swap3A_213] {strides = array<i32>} : memref<32x128xf32, #tpu.memory_space<vmem>>, vector<1x16xf32>,
      %swap3A_215 = vector.shape_cast %swap3A_214 : vector<1x16xf32> to vector<16xf32>
      %swap3A_216 = vector.shape_cast %scan3A_168#7 : vector<16xf32> to vector<1x16xf32>
      tpu.vector_store %arg10[%swap3A_212, %swap3A_213], %swap3A_216 {strides = array<i32>} : memref<32x128xf32, #tpu.memory_space<vmem>>, vector<1x16xf32>,
    }
    %scan3A_46 = arith.constant 16 : i32
    %mul3A_47 = arith.constant 32 : i32
    %mul3A_48 = arith.muli %add3A, %mul3A_47 : i32
    "tpu.region"() ({
      %run_scoped3A = tpu.sem_alloc : memref<!tpu.dma_semaphore, #tpu.memory_space<semaphore_mem>>
      %dma_start3A_49 = arith.constant 0 : i32
      %dma_start3A_50 = tpu.memref_slice %arg4[%mul3A_48, %dma_start3A_49] : memref<1024x128xf32, #tpu.memory_space<hbm>> -> memref<32x128xf32, #tpu.memory_space<hbm>>
      %dma_start3A_51 = arith.constant 0 : i32
      %dma_start3A_52 = tpu.memref_slice %arg4[%mul3A_48, %dma_start3A_51] : memref<1024x128xf32, #tpu.memory_space<hbm>> -> memref<32x128xf32, #tpu.memory_space<hbm>>
      tpu.enqueue_dma source(%arg10 : memref<32x128xf32, #tpu.memory_space<vmem>>) target(%dma_start3A_52 : memref<32x128xf32, #tpu.memory_space<hbm>>) target_semaphore(%run_scoped3A : memref<!tpu.dma_semaphore, #tpu.memory_space<semaphore_mem>>)
      %dma_wait3A = arith.constant 0 : i32
      %dma_wait3A_53 = tpu.memref_slice %arg4[%mul3A_48, %dma_wait3A] : memref<1024x128xf32, #tpu.memory_space<hbm>> -> memref<32x128xf32, #tpu.memory_space<hbm>>
      %dma_wait3A_54 = arith.constant 0 : i32
      %dma_wait3A_55 = tpu.memref_slice %arg4[%mul3A_48, %dma_wait3A_54] : memref<1024x128xf32, #tpu.memory_space<hbm>> -> memref<32x128xf32, #tpu.memory_space<hbm>>
      tpu.wait_dma2 semaphore(%run_scoped3A : memref<!tpu.dma_semaphore, #tpu.memory_space<semaphore_mem>>) src(%arg10 : memref<32x128xf32, #tpu.memory_space<vmem>>) dst(%dma_wait3A_55 : memref<32x128xf32, #tpu.memory_space<hbm>>)
      tpu.yield
    }) : () -> ()
    return
  }
}

</mosaic_0001>

<sc_bundles>
// kernel: kernel.3.cloned.1.call-start
scs
__scs_entry_jumppad:
0x0: {  	(pc) =	sbr.rel $0x88, $3  }
0x1: {  	(tag) =	ssettag $0x0;
	lr =	simm.s32 $0x1  }
0x2: {  	[smem:$0x3F9F] =	sst lr;
	_ =	strace $0xD0000000  }
0x3: {  	_ = 	snop  }
0x4: {  	_ = 	snop  }
0x5: {  	_ = 	snop  }
0x6: {  	_ = 	snop  }
0x7: {  	_ = 	snop  }
__scs_overlays_trampoline_lowered:
0x8: {  	[smem:$0x3FAE] =	sst s0  }
0x9: {  	[smem:$0x3FAF] =	sst s1  }
0xa: {  	[smem:$0x3FB0] =	sst s2  }
0xb: {  	[smem:$0x3FB1] =	sst s3  }
0xc: {  	[smem:$0x3FB2] =	sst s4  }
0xd: {  	[smem:$0x3FB3] =	sst s5  }
0xe: {  	[smem:$0x3FB4] =	sst s6  }
0xf: {  	[smem:$0x3FB5] =	sst s7  }
0x10: {  	[smem:$0x3FB6] =	sst s8  }
0x11: {  	[smem:$0x3FB7] =	sst s9;
	s0 =	simm.s32 @!p0 $0x0  }
0x12: {  	s1 =	sld [smem:$0x3F9D];
	s0 =	simm.s32 @p0 $0x1  }
0x13: {  	[smem:$0x3FB8] =	sst s0;
	s0 =	simm.s32 @!p1 $0x0  }
0x14: {  	s2 =	sld [smem:$0x3F9C];
	s0 =	simm.s32 @p1 $0x1  }
0x15: {  	[smem:$0x3FB9] =	sst s0;
	s0 =	simm.s32 @!p2 $0x0  }
0x16: {  	s3 =	sld [smem:$0x3FDB];
	s0 =	simm.s32 @p2 $0x1  }
0x17: {  	s4 =	simm.s32 $0x1BF5;
	[smem:$0x3FBB] =	sst s0  }
0x18: {  	s0 =	sld [smem:$0x3F9E];
	_ =	swait.ge [sflag:s4], $0x0  }
0x19: {  	s7 =	sld [smem:$0x3F9F]  }
0x1a: {  	s8 =	sadd.s32 $0xFFFFE003, lr  }
0x1b: {  	s9 =	sadd.s32 $0xFFFFFEF7, lr;
	s5 =	simm.s32 $0xFFFFFFFF;
	p2 =	slt.u32 s8, $0xFFFFF086  }
0x1c: {  	p1 =	slt.u32 s9, $0xF7A;
	s5 =	simm.s32 @!p2 $0x0  }
0x1d: {  	s5 =	simm.s32 @p1 $0x1;
	p0 =	seq.s32 s7, s2  }
0x1e: {  	s7 =	smul.u32 @!p0 $0xF7A, s2;
	p2 =	seq.s32 @!p0 s5, $0x0  }
0x1f: {  	s9 =	smul.u32 $0xF7A, s1;
	s8 =	simm.s32 @!p0 $0x1BF5;
	p2 =	por !p2, p0  }
0x20: {  	[sflag:s8] =	ssyncset.s32 @!p0 $0xFFFFF086;
	s6 =	sadd.s32 @!p0 s3, s7;
	s7 =	simm.s32 @!p0 $0x108  }
0x21: {  	s3 =	sadd.s32 s3, s9;
	s6 =	sadd.s32 @!p0 $0x88, s6;
	s7 =	simm.s32 @p2 $0x1082  }
0x22: {  	[simem:s7], [sflag:s8] =	dma.local @!p0 [hbm:s6], $0xF7A  }
0x23: {  	s9 =	sor.u32 $0xD0000000, s2;
	s6 =	simm.s32 $0x108;
	_ =	swait.ge @!p0 [sflag:s8], $0x0  }
0x24: {  	s3 =	sadd.s32 $0x88, s3;
	s6 =	simm.s32 @!p1 $0x1082;
	[sflag:s4] =	ssyncset.s32 $0xFFFFF086  }
0x25: {  	[simem:s6], [sflag:s4] =	dma.local [hbm:s3], $0xF7A  }
0x26: {  	[smem:$0x3F9F] =	sst s1;
	(tag) =	ssettag s2;
	_ =	strace s9  }
0x27: {  	s1 =	sld [smem:$0x3FAF]  }
0x28: {  	s2 =	sld [smem:$0x3FB0]  }
0x29: {  	s4 =	sld [smem:$0x3FB2]  }
0x2a: {  	p0 =	seq.s32 s5, $0x0;
	s5 =	sld [smem:$0x3FB3]  }
0x2b: {  	s6 =	sld [smem:$0x3FB4]  }
0x2c: {  	s7 =	sld [smem:$0x3FB5]  }
0x2d: {  	s3 =	simm.s32 $0x108;
	s8 =	sld [smem:$0x3FB6]  }
0x2e: {  	s3 =	simm.s32 @!p0 $0x1082;
	s9 =	sld [smem:$0x3FB7]  }
0x2f: {  	lr =	sadd.s32 s0, s3;
	s0 =	sld [smem:$0x3FAE]  }
0x30: {  	s3 =	sld [smem:$0x3FB1]  }
0x31: {  	[smem:$0x3FBA] =	sst s10  }
0x32: {  	s10 =	sld [smem:$0x3FB8];
	_ =	sdelay $0x3  }
0x33: {  	p0 =	seq.s32 s10, $0x1;
	s10 =	sld [smem:$0x3FBA];
	_ =	sdelay $0x3  }
0x34: {  	[smem:$0x3FBA] =	sst s10  }
0x35: {  	s10 =	sld [smem:$0x3FB9];
	_ =	sdelay $0x3  }
0x36: {  	p1 =	seq.s32 s10, $0x1;
	s10 =	sld [smem:$0x3FBA];
	_ =	sdelay $0x3  }
0x37: {  	[smem:$0x3FBA] =	sst s10  }
0x38: {  	s10 =	sld [smem:$0x3FBB]  }
0x39: {  	_ = 	snop;
	(pc) =	sbr.ind lr, $3  }
0x3a: {  	_ = 	snop  }
0x3b: {  	_ = 	snop  }
0x3c: {  	p2 =	seq.s32 s10, $0x1;
	s10 =	sld [smem:$0x3FBA]  }
0x3d: {  	_ =	shalt  }
0x3e: {  	_ =	shalt  }
0x3f: {  	_ =	shalt  }
0x40: {  	_ =	shalt  }
0x41: {  	_ =	shalt  }
0x42: {  	_ =	shalt  }
0x43: {  	_ =	shalt  }
0x44: {  	_ =	shalt  }
0x45: {  	_ =	shalt  }
0x46: {  	_ =	shalt  }
0x47: {  	_ =	shalt  }
0x48: {  	_ =	shalt  }
0x49: {  	_ =	shalt  }
0x4a: {  	_ =	shalt  }
0x4b: {  	_ =	shalt  }
0x4c: {  	_ =	shalt  }
0x4d: {  	_ =	shalt  }
0x4e: {  	_ =	shalt  }
0x4f: {  	_ =	shalt  }
0x50: {  	_ =	shalt  }
0x51: {  	_ =	shalt  }
0x52: {  	_ =	shalt  }
0x53: {  	_ =	shalt  }
0x54: {  	_ =	shalt  }
0x55: {  	_ =	shalt  }
0x56: {  	_ =	shalt  }
0x57: {  	_ =	shalt  }
0x58: {  	_ =	shalt  }
0x59: {  	_ =	shalt  }
0x5a: {  	_ =	shalt  }
0x5b: {  	_ =	shalt  }
0x5c: {  	_ =	shalt  }
0x5d: {  	_ =	shalt  }
0x5e: {  	_ =	shalt  }
0x5f: {  	_ =	shalt  }
0x60: {  	_ =	shalt  }
0x61: {  	_ =	shalt  }
0x62: {  	_ =	shalt  }
0x63: {  	_ =	shalt  }
0x64: {  	_ =	shalt  }
0x65: {  	_ =	shalt  }
0x66: {  	_ =	shalt  }
0x67: {  	_ =	shalt  }
0x68: {  	_ =	shalt  }
0x69: {  	_ =	shalt  }
0x6a: {  	_ =	shalt  }
0x6b: {  	_ =	shalt  }
0x6c: {  	_ =	shalt  }
0x6d: {  	_ =	shalt  }
0x6e: {  	_ =	shalt  }
0x6f: {  	_ =	shalt  }
0x70: {  	_ =	shalt  }
0x71: {  	_ =	shalt  }
0x72: {  	_ =	shalt  }
0x73: {  	_ =	shalt  }
0x74: {  	_ =	shalt  }
0x75: {  	_ =	shalt  }
0x76: {  	_ =	shalt  }
0x77: {  	_ =	shalt  }
0x78: {  	_ =	shalt  }
0x79: {  	_ =	shalt  }
0x7a: {  	_ =	shalt  }
0x7b: {  	_ =	shalt  }
0x7c: {  	_ =	shalt  }
0x7d: {  	_ =	shalt  }
0x7e: {  	_ =	shalt  }
0x7f: {  	_ =	shalt  }
0x80: {  	_ =	shalt  }
0x81: {  	_ =	shalt  }
0x82: {  	_ =	shalt  }
0x83: {  	_ =	shalt  }
0x84: {  	_ =	shalt  }
0x85: {  	_ =	shalt  }
0x86: {  	_ =	shalt  }
0x87: {  	_ =	shalt  }
.Lfunc_end0:
.L_simem_size_0:
called_computation_lowered:
.L_overlay_start_0:
0x88: {  	s2 =	sld [smem:$0x3FD9]  }
0x89: {  	s3 =	sld [smem:$0x3FFE];
	_ =	sdelay $0x1  }
0x8a: {  	s1 =	srdreg.scid  }
0x8b: {  	s0 =	sand.u32 $0x1, s1  }
0x8c: {  	s17 =	sshll.u32 s0, $0xA;
	s2 =	sadd.s32 s3, s2  }
0x8d: {  	s2 =	sadd.s32 s2, s17  }
0x8e: {  	[smem:$0x3FC6] =	sst s2  }
0x8f: {  	_ = 	snop  }
0x90: {  	s2 =	sld [smem:$0x3FC8]  }
0x91: {  	s18 =	sld [smem:$0x3FD0];
	(tm) =	ssettm $0x1  }
0x92: {  	s4 =	sld [smem:$0x3FFB];
	_ =	sdelay $0x3  }
0x93: {  	_ =	strace s4  }
0x94: {  	s4 =	sld [smem:$0x3FFC];
	_ =	sdelay $0x3  }
0x95: {  	_ =	strace s4  }
0x96: {  	s4 =	sld [smem:$0x3FFD];
	_ =	sdelay $0x3  }
0x97: {  	_ =	strace s4  }
0x98: {  	_ =	strace $0x8FFFFFFF  }
0x99: {  	s19 =	sld [smem:$0x3FDB];
	_ =	sdelay $0x1  }
0x9a: {  	s5 =	simm.s32 $_scs_section_size  }
0x9b: {  	s6 =	simm.s32 $_size__tile_overlayer_lowered;
	s7 =	simm.s32 $_tile_overlayer_lowered  }
0x9c: {  	s22 =	simm.s32 $0x1BFF;
	s21 =	sshll.u32 s7, $0x1;
	s4 =	sadd.s32 s5, s19  }
0x9d: {  	s8 =	simm.s32 $0x0;
	s20 =	sshll.u32 s6, $0x1;
	s6 =	sadd.s32 s21, s4  }
0x9e: {  	[timem:s8], [sflag:s22] =	dma.local [hbm:s6], s20  }
0x9f: {  	_ =	swait.ge [sflag:s22], s20  }
0xa0: {  	s5 =	ssub.s32 $0x0, s20;
	[sflag:s22] =	ssyncset.done $0x0  }
0xa1: {  	[sflag:s22] =	ssyncadd.s32 s5;
	_ =	sdelay $0x1  }
0xa2: {  	s23 =	simm.s32 $0x1B8B  }
0xa3: {  	_ =	swait.ge [sflag:s23], $0x1  }
0xa4: {  	[sflag:s23] =	ssyncset.done $0x0  }
0xa5: {  	s25 =	simm.s32 $0x1B8E;
	s24 =	sld [smem:$0x3FFE];
	[sflag:s23] =	ssyncadd.s32 $0xFFFFFFFF  }
0xa6: {  	s26 =	simm.s32 $execute0_lowered;
	[smem:$0x3FD2] =	sst s25  }
0xa7: {  	s6 =	sshll.u32 s26, $0x1;
	_ =	strace $0x80000046;
	[dreg:$0x1] =	wrdreg $0xFFFFFFFF  }
0xa8: {  	s28 =	simm.s32 $_size_execute0_lowered;
	s4 =	sadd.s32 s4, s6;
	[dreg:$0x0] =	wrdreg $0x0  }
0xa9: {  	s6 =	sshll.u32 s28, $0x1;
	[dreg:$0x2] =	wrdreg s4  }
0xaa: {  	[dreg:$0x3] =	wrdreg s6  }
0xab: {  	[dreg:$0x4] =	wrdreg $0xC0  }
0xac: {  	_ =	task [dreg:s8], $0x5FFFF  }
0xad: {  	[dreg:$0x1] =	wrdreg $0xFFFFFFFF  }
0xae: {  	[dreg:$0x0] =	wrdreg $0x60  }
0xaf: {  	[dreg:$0x2] =	wrdreg s24  }
0xb0: {  	[dreg:$0x3] =	wrdreg s2  }
0xb1: {  	[dreg:$0x4] =	wrdreg s18  }
0xb2: {  	[dreg:$0x5] =	wrdreg $0x9  }
0xb3: {  	_ =	task.clear_ibuf [dreg:s8], $0x6FFFF;
	_ =	strace $0x90000046  }
0xb4: {  	s29 =	simm.s32 $0x9;
	_ =	strace $0x80000048  }
0xb5: {  	_ =	swait.ge [sflag:s29], $0x1  }
0xb6: {  	[sflag:s29] =	ssyncadd.s32 $0xFFFFFFFF  }
0xb7: {  	_ =	strace $0x90000048  }
0xb8: {  	_ =	sfence  }
0xb9: {  	s30 =	sld [smem:$0x0];
	_ =	sdelay $0x2  }
0xba: {  	s31 =	sshll.u32 s1, $0xD;
	s1 =	sshrl.u32 s1, $0x2  }
0xbb: {  	s3 =	sand.u32 $0x4000, s31;
	s1 =	sadd.s32 s1, s30  }
0xbc: {  	s0 =	sor.u32 s3, s0;
	s1 =	sshll.u32 s1, $0x11  }
0xbd: {  	s0 =	sor.u32 s1, s0  }
0xbe: {  	s0 =	sadd.s32 $0x8F2B, s0  }
0xbf: {  	[sflag:s0] =	ssyncadd.remote.s32 $0x1  }
0xc0: {  	_ =	sfence.sel $0xFFFF  }
0xc1: {  	[dreg:$0x0] =	wrdreg $0xFFFFFFFF;
	(pc) =	sbr.abs _section_cstart, $3  }
0xc2: {  	[dreg:$0x1] =	wrdreg $0xFFFFFFFF  }
0xc3: {  	_ =	task.clear_ibuf [dreg:s8], $0x2FFFF;
	_ =	strace $0x9FFFFFFF  }
0xc4: {  	(tm) =	ssettm $0x7FFFFFFF  }
0xc5: {  	_ =	shalt  }
tec
execute0_lowered:
.L_overlay_start_1:
0x0: {  	(tag) =	ssettag $0x1  }
0x1: {  	s4 =	rddreg [dreg:$0x0]  }
0x2: {  	s2 =	rddreg [dreg:$0x1];
	s1 =	srdreg.scid  }
0x3: {  	s0 =	stileid.u32;
	s5 =	rddreg [dreg:$0x2];
	s3 =	simm.s32 $0x0  }
0x4: {  	s10 =	simm.s32 $0x60;
	s11 =	simm.s32 $0x4D00;
	s12 =	simm.s32 $0xC8  }
0x5: {  	s13 =	simm.s32 $0x7D00;
	s14 =	simm.s32 $0x130;
	s15 =	simm.s32 $0xB100  }
0x6: {  	s16 =	simm.s32 $0x1;
	s17 =	simm.s32 $0x2;
	s18 =	simm.s32 $0x3  }
0x7: {  	s19 =	simm.s32 $0x4;
	s20 =	simm.s32 $0xE100;
	s21 =	simm.s32 $0x0  }
0x8: {  	s6 =	sand.u32 $0x1, s1;
	s7 =	sshll.u32 s0, $0x1;
	s1 =	rddreg [dreg:$0x3]  }
0x9: {  	[smem:$0x7FF] =	sst s3;
	s7 =	sor.u32 s6, s7;
	s6 =	ssub.s32 $0x2, s6  }
0xa: {  	s8 =	smul.u32 $0x320, s7;
	s9 =	sshrl.u32 s6, $0x1;
	s7 =	sshll.u32 s7, $0x9  }
0xb: {  	_ =	strace $0x80000047;
	s6 =	ssub.s32 s6, s9;
	s5 =	sadd.s32 s5, s7  }
0xc: {  	s7 =	simm.s32 $0x5;
	s9 =	simm.s32 $0x1900;
	s4 =	sadd.s32 s8, s4  }
0xd: {  	s6 =	smax.u32 s6, $0x1;
	s8 =	simm.s32 $0x68;
	s4 =	sadd.s32 $0x400, s4  }
.LBB2_1:
0xe: {  	[tilespmem:s3], [sflag:$0x5] =	stream.linear.gather [hbm4b:s4+s3], $0x1900, $0x38;
	[tilespmem:$0xF100] =	vst v63  }
0xf: {  	_ =	swait.ge [sflag:s7], $0x1900  }
0x10: {  	[sflag:s7] =	ssyncset.done $0x0  }
0x11: {  	[sflag:s7] =	ssyncadd.s32 $0xFFFFE700  }
0x12: {  	[tilespmem:s9], [sflag:$0x1] =	stream.indirect.gather [hbm4b:s2+s8], $0x80, s3, s8, $0xb8;
	[tilespmem:$0xF100] =	vst v63  }
0x13: {  	_ = 	snop  }
0x14: {  	[tilespmem:s11], [sflag:$0x2] =	stream.indirect.gather [hbm4b:s2+s10], $0x80, s8, s10, $0xb8;
	[tilespmem:$0xF100] =	vst v63  }
0x15: {  	_ = 	snop  }
0x16: {  	[tilespmem:s13], [sflag:$0x3] =	stream.indirect.gather [hbm4b:s2+s8], $0x80, s12, s8, $0xb8;
	[tilespmem:$0xF100] =	vst v63  }
0x17: {  	s22 =	simm.s32 $0x0  }
0x18: {  	[tilespmem:s15], [sflag:$0x4] =	stream.indirect.gather [hbm4b:s2+s10], $0x80, s14, s10, $0xb8;
	[tilespmem:$0xF100] =	vst v63  }
.LBB2_2:
0x19: {  	_ =	swait.ge [sflag:s16], $0x3400  }
0x1a: {  	[sflag:s16] =	ssyncset.done $0x0  }
0x1b: {  	s25 =	simm.s32 $0x0;
	[sflag:s16] =	ssyncadd.s32 $0xFFFFCC00  }
0x1c: {  	v0 =	vld [tilespmem:s25+$0x1970]  }
0x1d: {  	v2 =	vld [tilespmem:s25+$0x1900]  }
0x1e: {  	v4 =	vld [tilespmem:s25+$0x1910]  }
0x1f: {  	v5 =	vld [tilespmem:s25+$0x1920]  }
0x20: {  	v8 =	vld [tilespmem:s25+$0x1930]  }
0x21: {  	v3 =	vimm.f32 $0.0e+00;
	v9 =	vimm.f32 $0.0e+00;
	v6 =	vld [tilespmem:s25+$0x1940]  }
0x22: {  	v10 =	vimm.f32 $0.0e+00;
	v7 =	vimm.f32 $0.0e+00;
	v11 =	vld [tilespmem:s25+$0x1950];
	v1 =	vadd.f32 v0, v3  }
0x23: {  	s23 =	simm.s32 $0x80;
	s24 =	simm.s32 $0x400;
	v12 =	vld [tilespmem:s25+$0x1960];
	v0 =	vadd.f32 v2, v3;
	v2 =	vadd.f32 v4, v3;
	v4 =	vimm.f32 $0.0e+00  }
.LBB2_3:
0x24: {  	p0 =	sne.s32 s24, $0xCE00;
	v13 =	vld [tilespmem:s23+$0x1970];
	v3 =	vadd.f32 v5, v3  }
0x25: {  	v14 =	vld [tilespmem:s23+$0x1900];
	v4 =	vadd.f32 v8, v4  }
0x26: {  	v15 =	vld [tilespmem:s23+$0x1910];
	v9 =	vadd.f32 v6, v9  }
.Ltmp0:
0x27: {  	v5 =	vld [tilespmem:s23+$0x1920];
	v10 =	vadd.f32 v11, v10;
	(pc) =	sbr.rel @p0 .LBB2_3-.Ltmp0, $4  }
0x28: {  	v8 =	vld [tilespmem:s23+$0x1930];
	v7 =	vadd.f32 v12, v7  }
0x29: {  	v6 =	vld [tilespmem:s23+$0x1940];
	v1 =	vadd.f32 v13, v1  }
0x2a: {  	v0 =	vadd.f32 v14, v0;
	v11 =	vld [tilespmem:s23+$0x1950]  }
0x2b: {  	v2 =	vadd.f32 v15, v2;
	v12 =	vld [tilespmem:s23+$0x1960];
	s23 =	sshra.s32 s24, $0x2;
	s24 =	sadd.s32 $0x200, s24  }
0x2c: {  	v13 =	vld [tilespmem:s23+$0x1970]  }
0x2d: {  	v14 =	vld [tilespmem:s23+$0x1900]  }
0x2e: {  	v15 =	vld [tilespmem:s23+$0x1910]  }
0x2f: {  	v16 =	vld [tilespmem:s23+$0x1920];
	s24 =	sshll.u32 s22, $0x1  }
0x30: {  	v17 =	vld [tilespmem:s23+$0x1930];
	p0 =	seq.s32 s22, $0xF;
	s25 =	sadd.s32 $0x2, s24  }
0x31: {  	v18 =	vld [tilespmem:s23+$0x1940];
	s25 =	smul.u32 @!p0 $0x320, s25  }
0x32: {  	v19 =	vld [tilespmem:s23+$0x1950]  }
0x33: {  	v20 =	vld [tilespmem:s23+$0x1960];
	s26 =	simm.s32 @!p0 $0x1900;
	s23 =	sshra.s32 @!p0 s25, $0x2;
	s25 =	simm.s32 @!p0 $0x68  }
0x34: {  	[tilespmem:s26], [sflag:$0x1] =	stream.indirect.gather @!p0 [hbm4b:s2+s25], $0x80, s23, s25, $0xb8;
	[tilespmem:$0xF100] =	vst v63  }
0x35: {  	_ =	swait.ge [sflag:s17], $0x3000  }
0x36: {  	[sflag:s17] =	ssyncset.done $0x0  }
0x37: {  	s28 =	simm.s32 $0x0;
	[sflag:s17] =	ssyncadd.s32 $0xFFFFD000  }
0x38: {  	v3 =	vadd.f32 v5, v3;
	v4 =	vadd.f32 v8, v4;
	v21 =	vld [tilespmem:s28+$0x4D70]  }
0x39: {  	v8 =	vadd.f32 v6, v9;
	v9 =	vadd.f32 v11, v10;
	v10 =	vld [tilespmem:s28+$0x4D00]  }
0x3a: {  	v11 =	vadd.f32 v12, v7;
	v12 =	vadd.f32 v13, v1;
	v13 =	vld [tilespmem:s28+$0x4D10]  }
0x3b: {  	v14 =	vadd.f32 v14, v0;
	v15 =	vadd.f32 v15, v2;
	v6 =	vld [tilespmem:s28+$0x4D20]  }
0x3c: {  	v5 =	vadd.f32 v16, v3;
	v4 =	vadd.f32 v17, v4;
	v7 =	vld [tilespmem:s28+$0x4D30]  }
0x3d: {  	v3 =	vadd.f32 v18, v8;
	v2 =	vadd.f32 v19, v9;
	v8 =	vld [tilespmem:s28+$0x4D40]  }
0x3e: {  	v1 =	vadd.f32 v20, v11;
	v9 =	vld [tilespmem:s28+$0x4D50];
	v0 =	vadd.f32 v21, v12  }
0x3f: {  	s25 =	simm.s32 $0x80;
	s26 =	simm.s32 $0x400;
	v10 =	vadd.f32 v10, v14;
	v11 =	vadd.f32 v13, v15;
	v12 =	vld [tilespmem:s28+$0x4D60]  }
.LBB2_5:
0x40: {  	p1 =	sne.s32 s26, $0xBE00;
	v13 =	vld [tilespmem:s25+$0x4D70];
	v5 =	vadd.f32 v6, v5  }
0x41: {  	v14 =	vld [tilespmem:s25+$0x4D00];
	v4 =	vadd.f32 v7, v4  }
0x42: {  	v15 =	vld [tilespmem:s25+$0x4D10];
	v3 =	vadd.f32 v8, v3  }
.Ltmp1:
0x43: {  	v6 =	vld [tilespmem:s25+$0x4D20];
	v2 =	vadd.f32 v9, v2;
	(pc) =	sbr.rel @p1 .LBB2_5-.Ltmp1, $4  }
0x44: {  	v7 =	vld [tilespmem:s25+$0x4D30];
	v1 =	vadd.f32 v12, v1  }
0x45: {  	v8 =	vld [tilespmem:s25+$0x4D40];
	v0 =	vadd.f32 v13, v0  }
0x46: {  	v10 =	vadd.f32 v14, v10;
	v9 =	vld [tilespmem:s25+$0x4D50]  }
0x47: {  	v11 =	vadd.f32 v15, v11;
	v12 =	vld [tilespmem:s25+$0x4D60];
	s25 =	sshra.s32 s26, $0x2;
	s26 =	sadd.s32 $0x200, s26  }
0x48: {  	v13 =	vld [tilespmem:s25+$0x4D70]  }
0x49: {  	v14 =	vld [tilespmem:s25+$0x4D00]  }
0x4a: {  	v15 =	vld [tilespmem:s25+$0x4D10]  }
0x4b: {  	v16 =	vld [tilespmem:s25+$0x4D20]  }
0x4c: {  	v17 =	vld [tilespmem:s25+$0x4D30]  }
0x4d: {  	v18 =	vld [tilespmem:s25+$0x4D40]  }
0x4e: {  	v19 =	vld [tilespmem:s25+$0x4D50];
	s23 =	sadd.s32 @!p0 $0x68, s23  }
0x4f: {  	v20 =	vld [tilespmem:s25+$0x4D60];
	s25 =	simm.s32 @!p0 $0x60;
	s26 =	simm.s32 @!p0 $0x4D00;
	s31 =	sshll.u32 s22, $0x8  }
0x50: {  	v5 =	vadd.f32 v6, v5;
	[tilespmem:s26], [sflag:$0x2] =	stream.indirect.gather @!p0 [hbm4b:s2+s25], $0x80, s23, s25, $0xb8;
	v6 =	vadd.f32 v14, v10;
	[tilespmem:$0xF100] =	vst v63  }
0x51: {  	v4 =	vadd.f32 v7, v4;
	s23 =	sand.u32 $0x3FFFFF00, s31;
	v7 =	vadd.f32 v15, v11  }
0x52: {  	v3 =	vadd.f32 v8, v3;
	v5 =	vadd.f32 v16, v5;
	[tilespmem:s23+$0xE100] =	vst v6  }
0x53: {  	v2 =	vadd.f32 v9, v2;
	v4 =	vadd.f32 v17, v4;
	[tilespmem:s23+$0xE110] =	vst v7  }
0x54: {  	v3 =	vadd.f32 v18, v3;
	[tilespmem:s23+$0xE120] =	vst v5  }
0x55: {  	v1 =	vadd.f32 v12, v1;
	v2 =	vadd.f32 v19, v2;
	[tilespmem:s23+$0xE130] =	vst v4  }
0x56: {  	v0 =	vadd.f32 v13, v0;
	[tilespmem:s23+$0xE140] =	vst v3  }
0x57: {  	v1 =	vadd.f32 v20, v1;
	[tilespmem:s23+$0xE150] =	vst v2  }
0x58: {  	[tilespmem:s23+$0xE170] =	vst v0  }
0x59: {  	[tilespmem:s23+$0xE160] =	vst v1  }
0x5a: {  	_ =	swait.ge [sflag:s18], $0x3400  }
0x5b: {  	[sflag:s18] =	ssyncset.done $0x0  }
0x5c: {  	s28 =	simm.s32 $0x0;
	[sflag:s18] =	ssyncadd.s32 $0xFFFFCC00  }
0x5d: {  	v0 =	vld [tilespmem:s28+$0x7D70]  }
0x5e: {  	v2 =	vld [tilespmem:s28+$0x7D00]  }
0x5f: {  	v4 =	vld [tilespmem:s28+$0x7D10]  }
0x60: {  	v5 =	vld [tilespmem:s28+$0x7D20]  }
0x61: {  	v8 =	vld [tilespmem:s28+$0x7D30]  }
0x62: {  	v9 =	vimm.f32 $0.0e+00;
	v3 =	vimm.f32 $0.0e+00;
	v6 =	vld [tilespmem:s28+$0x7D40]  }
0x63: {  	v10 =	vimm.f32 $0.0e+00;
	v7 =	vimm.f32 $0.0e+00;
	v11 =	vld [tilespmem:s28+$0x7D50];
	v1 =	vadd.f32 v0, v3  }
0x64: {  	s25 =	simm.s32 $0x80;
	s26 =	simm.s32 $0x400;
	v12 =	vld [tilespmem:s28+$0x7D60];
	v0 =	vadd.f32 v2, v3;
	v2 =	vadd.f32 v4, v3;
	v4 =	vimm.f32 $0.0e+00  }
.LBB2_7:
0x65: {  	p1 =	sne.s32 s26, $0xCE00;
	v13 =	vld [tilespmem:s25+$0x7D70];
	v3 =	vadd.f32 v5, v3  }
0x66: {  	v14 =	vld [tilespmem:s25+$0x7D00];
	v4 =	vadd.f32 v8, v4  }
0x67: {  	v15 =	vld [tilespmem:s25+$0x7D10];
	v9 =	vadd.f32 v6, v9  }
.Ltmp2:
0x68: {  	v5 =	vld [tilespmem:s25+$0x7D20];
	v10 =	vadd.f32 v11, v10;
	(pc) =	sbr.rel @p1 .LBB2_7-.Ltmp2, $4  }
0x69: {  	v8 =	vld [tilespmem:s25+$0x7D30];
	v7 =	vadd.f32 v12, v7  }
0x6a: {  	v6 =	vld [tilespmem:s25+$0x7D40];
	v1 =	vadd.f32 v13, v1  }
0x6b: {  	v0 =	vadd.f32 v14, v0;
	v11 =	vld [tilespmem:s25+$0x7D50]  }
0x6c: {  	v2 =	vadd.f32 v15, v2;
	v12 =	vld [tilespmem:s25+$0x7D60];
	s25 =	sshra.s32 s26, $0x2;
	s26 =	sadd.s32 $0x200, s26  }
0x6d: {  	v13 =	vld [tilespmem:s25+$0x7D70]  }
0x6e: {  	v14 =	vld [tilespmem:s25+$0x7D00]  }
0x6f: {  	v15 =	vld [tilespmem:s25+$0x7D10]  }
0x70: {  	v16 =	vld [tilespmem:s25+$0x7D20]  }
0x71: {  	v17 =	vld [tilespmem:s25+$0x7D30];
	s24 =	sadd.s32 $0x3, s24  }
0x72: {  	v18 =	vld [tilespmem:s25+$0x7D40];
	s24 =	smul.u32 @!p0 $0x320, s24  }
0x73: {  	v19 =	vld [tilespmem:s25+$0x7D50]  }
0x74: {  	v20 =	vld [tilespmem:s25+$0x7D60];
	s25 =	simm.s32 @!p0 $0x68;
	s26 =	simm.s32 @!p0 $0x7D00;
	s24 =	sshra.s32 @!p0 s24, $0x2  }
0x75: {  	[tilespmem:s26], [sflag:$0x3] =	stream.indirect.gather @!p0 [hbm4b:s2+s25], $0x80, s24, s25, $0xb8;
	[tilespmem:$0xF100] =	vst v63  }
0x76: {  	_ =	swait.ge [sflag:s19], $0x3000  }
0x77: {  	[sflag:s19] =	ssyncset.done $0x0  }
0x78: {  	s28 =	simm.s32 $0x0;
	[sflag:s19] =	ssyncadd.s32 $0xFFFFD000  }
0x79: {  	v3 =	vadd.f32 v5, v3;
	v4 =	vadd.f32 v8, v4;
	v8 =	vld [tilespmem:s28+$0xB170]  }
0x7a: {  	v9 =	vadd.f32 v6, v9;
	v11 =	vadd.f32 v11, v10;
	v21 =	vld [tilespmem:s28+$0xB100]  }
0x7b: {  	v12 =	vadd.f32 v12, v7;
	v13 =	vadd.f32 v13, v1;
	v22 =	vld [tilespmem:s28+$0xB110]  }
0x7c: {  	v14 =	vadd.f32 v14, v0;
	v15 =	vadd.f32 v15, v2;
	v10 =	vld [tilespmem:s28+$0xB120]  }
0x7d: {  	v5 =	vadd.f32 v16, v3;
	v4 =	vadd.f32 v17, v4;
	v6 =	vld [tilespmem:s28+$0xB130]  }
0x7e: {  	v3 =	vadd.f32 v18, v9;
	v2 =	vadd.f32 v19, v11;
	v7 =	vld [tilespmem:s28+$0xB140]  }
0x7f: {  	v1 =	vadd.f32 v20, v12;
	v0 =	vadd.f32 v8, v13;
	v8 =	vld [tilespmem:s28+$0xB150]  }
0x80: {  	s25 =	simm.s32 $0x80;
	s26 =	simm.s32 $0x400;
	v11 =	vld [tilespmem:s28+$0xB160];
	v12 =	vadd.f32 v21, v14;
	v9 =	vadd.f32 v22, v15  }
.LBB2_9:
0x81: {  	p1 =	sne.s32 s26, $0xBE00;
	v13 =	vld [tilespmem:s25+$0xB170];
	v5 =	vadd.f32 v10, v5  }
0x82: {  	v14 =	vld [tilespmem:s25+$0xB100];
	v4 =	vadd.f32 v6, v4  }
0x83: {  	v15 =	vld [tilespmem:s25+$0xB110];
	v3 =	vadd.f32 v7, v3  }
.Ltmp3:
0x84: {  	v10 =	vld [tilespmem:s25+$0xB120];
	v2 =	vadd.f32 v8, v2;
	(pc) =	sbr.rel @p1 .LBB2_9-.Ltmp3, $4  }
0x85: {  	v6 =	vld [tilespmem:s25+$0xB130];
	v1 =	vadd.f32 v11, v1  }
0x86: {  	v7 =	vld [tilespmem:s25+$0xB140];
	v0 =	vadd.f32 v13, v0  }
0x87: {  	v12 =	vadd.f32 v14, v12;
	v8 =	vld [tilespmem:s25+$0xB150]  }
0x88: {  	v9 =	vadd.f32 v15, v9;
	v11 =	vld [tilespmem:s25+$0xB160];
	s25 =	sshra.s32 s26, $0x2;
	s26 =	sadd.s32 $0x200, s26  }
0x89: {  	v13 =	vld [tilespmem:s25+$0xB170]  }
0x8a: {  	v14 =	vld [tilespmem:s25+$0xB100]  }
0x8b: {  	v15 =	vld [tilespmem:s25+$0xB110]  }
0x8c: {  	v16 =	vld [tilespmem:s25+$0xB120]  }
0x8d: {  	v17 =	vld [tilespmem:s25+$0xB130]  }
0x8e: {  	v18 =	vld [tilespmem:s25+$0xB140]  }
0x8f: {  	v19 =	vld [tilespmem:s25+$0xB150]  }
0x90: {  	v5 =	vadd.f32 v10, v5;
	v62 =	vld [tilespmem:s25+$0xB160];
	s24 =	sadd.s32 @!p0 $0x68, s24;
	s25 =	simm.s32 @!p0 $0x60;
	s26 =	simm.s32 @!p0 $0xB100;
	v61 =	vadd.f32 v14, v12  }
0x91: {  	v4 =	vadd.f32 v6, v4;
	[tilespmem:s26], [sflag:$0x4] =	stream.indirect.gather @!p0 [hbm4b:s2+s25], $0x80, s24, s25, $0xb8;
	v63 =	vadd.f32 v15, v9;
	[tilespmem:$0xF100] =	vst v63  }
0x92: {  	v3 =	vadd.f32 v7, v3;
	v5 =	vadd.f32 v16, v5;
	[tilespmem:s23+$0xE180] =	vst v61  }
0x93: {  	s22 =	sadd.s32 $0x1, s22;
	v2 =	vadd.f32 v8, v2;
	v4 =	vadd.f32 v17, v4;
	[tilespmem:s23+$0xE190] =	vst v63  }
0x94: {  	p0 =	sne.s32 s22, $0x10;
	v3 =	vadd.f32 v18, v3;
	[tilespmem:s23+$0xE1A0] =	vst v5  }
.Ltmp4:
0x95: {  	v1 =	vadd.f32 v11, v1;
	v2 =	vadd.f32 v19, v2;
	[tilespmem:s23+$0xE1B0] =	vst v4;
	(pc) =	sbr.rel @p0 .LBB2_2-.Ltmp4, $4  }
0x96: {  	v0 =	vadd.f32 v13, v0;
	[tilespmem:s23+$0xE1C0] =	vst v3  }
0x97: {  	v1 =	vadd.f32 v62, v1;
	[tilespmem:s23+$0xE1D0] =	vst v2  }
0x98: {  	[tilespmem:s23+$0xE1F0] =	vst v0  }
0x99: {  	[tilespmem:s23+$0xE1E0] =	vst v1  }
0x9a: {  	s21 =	sadd.s32 $0x1, s21  }
0x9b: {  	p0 =	sne.s32 s21, s6  }
.Ltmp5:
0x9c: {  	_ = 	snop;
	(pc) =	sbr.rel @p0 .LBB2_1-.Ltmp5, $4  }
0x9d: {  	[hbm4b:s5+s3] =	stream.linear.scatter [tilespmem:s20], [sflag:$0x5], $0x1000, $0x38;
	[tilespmem:$0xF100] =	vst v63  }
0x9e: {  	_ =	swait.ge [sflag:s7], $0x1000  }
0x9f: {  	[sflag:s7] =	ssyncset.done $0x0  }
0xa0: {  	[sflag:s7] =	ssyncadd.s32 $0xFFFFF000  }
0xa1: {  	_ =	sfence.sel $0x180000  }
0xa2: {  	[bflag:$0x0] =	sbarrier.arrive $0xFFFF  }
0xa3: {  	p0 =	sne.s32 s0, $0x0;
	_ =	strace $0x90000047  }
0xa4: {  	s0 =	sadd.s32 @!p0 $0x100000, s1;
	[bflag:$0x2] =	sbarrier.arrive $0xFFFF  }
0xa5: {  	[sflag:s0] =	ssyncadd.tile.s32 @!p0 $0x1;
	_ =	shalt  }
.Lfunc_end2:
_tile_overlayer_lowered:
.L_overlay_start_2:
0xa6: {  	(tag) =	ssettag $0x2  }
0xa7: {  	s0 =	rddreg [dreg:$0x0];
	s2 =	stileid.u32  }
0xa8: {  	s1 =	rddreg [dreg:$0x1];
	p0 =	sne.s32 s2, $0x0  }
0xa9: {  	s3 =	rddreg [dreg:$0x2];
	[bflag:$0x3] =	sbarrier.arrive $0xFFFF;
	s2 =	simm.s32 @!p0 $0x1C05  }
0xaa: {  	[timem:s3], [sflag:s2] =	dma.local @!p0 [hbm:s0], s1  }
0xab: {  	s0 =	simm.s32 @!p0 $0x5  }
0xac: {  	_ =	swait.ge @!p0 [sflag:s0], s1  }
0xad: {  	s1 =	ssub.s32 @!p0 $0x0, s1;
	[sflag:s0] =	ssyncset.done @!p0 $0x0  }
0xae: {  	[sflag:s0] =	ssyncadd.s32 @!p0 s1  }
0xaf: {  	[bflag:$0x3] =	sbarrier.arrive $0xFFFF  }
0xb0: {  	_ =	shalt  }

</sc_bundles>
